<compile_context>
chip_gen: v7x
topology: tpu7x:2x2x1
jax: 0.10.2.dev20260603
libtpu: 0.0.44.dev20260713+nightly
codegen_flags: <defaults>
</compile_context>

<pallas_src>
import functools

import jax
import jax.numpy as jnp
from jax import lax
from jax.experimental import pallas as pl
from jax.experimental.pallas import tpu as pltpu
from jax.experimental.pallas import tpu_sc as plsc

_N = 10000
_D = 128
_H = 128
_E = 320000
_NC = 2
_NS = 16
_NW = _NC * _NS
_K = 125
_CH = _E // (_NW * _K)
_CPG = 16
_RPS = _N // _NS

_sc_mesh = plsc.VectorSubcoreMesh(core_axis_name="c", subcore_axis_name="s")


@functools.partial(
    pl.kernel,
    out_type=jax.ShapeDtypeStruct((2 * _NC, _N), jnp.float32),
    mesh=_sc_mesh,
    scratch_types=[
        pltpu.VMEM((_CH, _K), jnp.int32),
        pltpu.VMEM((_CH, _K), jnp.int32),
        pltpu.VMEM((128,), jnp.float32),
        pltpu.VMEM((_N,), jnp.float32),
        pltpu.VMEM_SHARED((_N,), jnp.float32),
        pltpu.VMEM_SHARED((_N,), jnp.float32),
    ],
)
def _deg(srcb, dstb, out, sidx, didx, ones_v, zb, sh_do, sh_di):
    c = lax.axis_index("c")
    s = lax.axis_index("s")
    wid = s * _NC + c
    ov = jnp.ones((16,), jnp.float32)
    zv = jnp.zeros((16,), jnp.float32)
    for kk in range(8):
        ones_v[pl.ds(kk * 16, 16)] = ov

    def zrow(i, carry):
        zb[pl.ds(i * 16, 16)] = zv
        return carry

    lax.fori_loop(0, _N // 16, zrow, 0)

    @pl.when(s == 0)
    def _():
        pltpu.sync_copy(zb, sh_do)
        pltpu.sync_copy(zb, sh_di)

    plsc.subcore_barrier()

    pltpu.sync_copy(srcb.at[pl.ds(wid * _CH, _CH)], sidx)
    pltpu.sync_copy(dstb.at[pl.ds(wid * _CH, _CH)], didx)
    ones_k = ones_v.at[pl.ds(0, _K)]

    def body(j, carry):
        pltpu.sync_copy(ones_k, sh_do.at[sidx.at[j]], add=True)
        pltpu.sync_copy(ones_k, sh_di.at[didx.at[j]], add=True)
        return carry

    lax.fori_loop(0, _CH, body, 0)
    plsc.subcore_barrier()

    @pl.when(s == 0)
    def _():
        pltpu.sync_copy(sh_do, out.at[2 * c])
        pltpu.sync_copy(sh_di, out.at[2 * c + 1])


@functools.partial(
    pl.kernel,
    out_type=jax.ShapeDtypeStruct((_NC * _N, _H), jnp.float32),
    mesh=_sc_mesh,
    scratch_types=[
        pltpu.VMEM((_CPG, _K), jnp.int32),
        pltpu.VMEM((_CH, _K), jnp.int32),
        pltpu.VMEM((_K, _H), jnp.float32),
        pltpu.VMEM((_K, _H), jnp.float32),
        pltpu.VMEM_SHARED((_N, _H), jnp.float32),
        pltpu.SemaphoreType.DMA,
        pltpu.SemaphoreType.DMA,
        pltpu.SemaphoreType.DMA,
        pltpu.SemaphoreType.DMA,
    ],
)
def _prop(hh, srcb, dstb, out, sidx, didx, rb0, rb1, sh, g0, g1, s0, s1):
    c = lax.axis_index("c")
    s = lax.axis_index("s")
    wid = s * _NC + c
    zv = jnp.zeros((16,), jnp.float32)

    def zrow(r, carry):
        for kk in range(8):
            rb0[r, pl.ds(kk * 16, 16)] = zv
        return carry

    lax.fori_loop(0, _K, zrow, 0)
    for t in range(_RPS // _K):
        pltpu.sync_copy(rb0, sh.at[pl.ds(s * _RPS + t * _K, _K)])
    plsc.subcore_barrier()

    pltpu.sync_copy(dstb.at[pl.ds(wid * _CH, _CH)], didx)
    pltpu.sync_copy(srcb.at[pl.ds(wid * _CH, _CPG)], sidx)
    pltpu.async_copy(hh.at[sidx.at[0]], rb0, g0)
    pltpu.async_copy(hh.at[sidx.at[1]], rb1, g1)

    def body(jj, carry):
        j = 2 * jj
        pltpu.async_copy(rb0, sh.at[didx.at[j]], s0, add=True)
        pltpu.make_async_copy(rb0, sh.at[didx.at[j]], s0).wait()
        pltpu.async_copy(rb1, sh.at[didx.at[j + 1]], s1, add=True)
        pltpu.make_async_copy(rb1, sh.at[didx.at[j + 1]], s1).wait()
        return carry

    lax.fori_loop(0, _CH // 2, body, 0)
    pltpu.make_async_copy(hh.at[sidx.at[0]], rb0, g0).wait()
    pltpu.make_async_copy(hh.at[sidx.at[0]], rb1, g1).wait()
    plsc.subcore_barrier()
    cpr = 624
    pltpu.sync_copy(
        sh.at[pl.ds(s * cpr, cpr)],
        out.at[pl.ds(c * _N + s * cpr, cpr)],
    )

    @pl.when(s == 0)
    def _():
        pltpu.sync_copy(
            sh.at[pl.ds(_NS * cpr, _N - _NS * cpr)],
            out.at[pl.ds(c * _N + _NS * cpr, _N - _NS * cpr)],
        )


_BM = 1000
_GRID = _N // _BM


def _row(m):
    return (m, 0)


def _fix2(m):
    return (0, 0)


def _fix3(m):
    return (0, 0, 0)


def _mlp_body(x_ref, dg_ref, w1_ref, b1_ref, ga_ref, be_ref, rm_ref, rv_ref,
              w2_ref, b2_ref, wg_ref, o_ref):
    h = jnp.dot(x_ref[...], w1_ref[...], preferred_element_type=jnp.float32)
    h = (h + b1_ref[...] - rm_ref[...]) * (
        ga_ref[...] * lax.rsqrt(rv_ref[...] + 1e-5)) + be_ref[...]
    h = jnp.maximum(h, 0.0)
    h = jnp.dot(h, w2_ref[...], preferred_element_type=jnp.float32) + b2_ref[...]
    d = dg_ref[...]
    ns = lax.rsqrt(jnp.maximum(d[:, 0:1] + d[:, 2:3], 1.0))
    o_ref[...] = jnp.dot(h * ns, wg_ref[...], preferred_element_type=jnp.float32)


_mlp = pl.pallas_call(
    _mlp_body,
    grid=(_GRID,),
    in_specs=[
        pl.BlockSpec((_BM, _D), _row),
        pl.BlockSpec((_BM, 4), _row),
        pl.BlockSpec((_D, _H), _fix2),
        pl.BlockSpec((1, _H), _fix2),
        pl.BlockSpec((1, _H), _fix2),
        pl.BlockSpec((1, _H), _fix2),
        pl.BlockSpec((1, _H), _fix2),
        pl.BlockSpec((1, _H), _fix2),
        pl.BlockSpec((_H, _H), _fix2),
        pl.BlockSpec((1, _H), _fix2),
        pl.BlockSpec((_H, _H), _fix2),
    ],
    out_specs=pl.BlockSpec((_BM, _H), _row),
    out_shape=jax.ShapeDtypeStruct((_N, _H), jnp.float32),
)


def _mid_body(p_ref, dg_ref, wg_ref, bg_ref, o_ref):
    agg = p_ref[0] + p_ref[1]
    d = dg_ref[...]
    nd = lax.rsqrt(jnp.maximum(d[:, 1:2] + d[:, 3:4], 1.0))
    ns = lax.rsqrt(jnp.maximum(d[:, 0:1] + d[:, 2:3], 1.0))
    h = agg * nd + bg_ref[...]
    o_ref[...] = jnp.dot(h * ns, wg_ref[...], preferred_element_type=jnp.float32)


_mid = pl.pallas_call(
    _mid_body,
    grid=(_GRID,),
    in_specs=[
        pl.BlockSpec((2, _BM, _H), lambda m: (0, m, 0)),
        pl.BlockSpec((_BM, 4), _row),
        pl.BlockSpec((_H, _H), _fix2),
        pl.BlockSpec((1, _H), _fix2),
    ],
    out_specs=pl.BlockSpec((_BM, _H), _row),
    out_shape=jax.ShapeDtypeStruct((_N, _H), jnp.float32),
)


def _fin_body(p_ref, dg_ref, bg_ref, o_ref):
    agg = p_ref[0] + p_ref[1]
    d = dg_ref[...]
    nd = lax.rsqrt(jnp.maximum(d[:, 1:2] + d[:, 3:4], 1.0))
    o_ref[...] = agg * nd + bg_ref[...]


_fin = pl.pallas_call(
    _fin_body,
    grid=(_GRID,),
    in_specs=[
        pl.BlockSpec((2, _BM, _H), lambda m: (0, m, 0)),
        pl.BlockSpec((_BM, 4), _row),
        pl.BlockSpec((1, _H), _fix2),
    ],
    out_specs=pl.BlockSpec((_BM, _H), _row),
    out_shape=jax.ShapeDtypeStruct((_N, _H), jnp.float32),
)


def kernel(x, edge_index, W1, b1, gamma, beta, rm, rv, W2, b2, Wg, bg):
    srcb = edge_index[0].reshape(_NW * _CH, _K)
    dstb = edge_index[1].reshape(_NW * _CH, _K)
    degp = _deg(srcb, dstb)
    degt = degp.T

    def r1(v):
        return v.reshape(1, _H)

    hh = _mlp(x, degt, W1, r1(b1), r1(gamma), r1(beta), r1(rm), r1(rv),
              W2, r1(b2), Wg)
    part = _prop(hh, srcb, dstb).reshape(2, _N, _H)
    hh = _mid(part, degt, Wg, r1(bg))
    part = _prop(hh, srcb, dstb).reshape(2, _N, _H)
    return _fin(part, degt, r1(bg))

# --- scband reference (transcript-rebuilt; emitter-appended) ---
"""Pipeline reference for scband-gcn-with-mlp-40415642256055 (READ-ONLY COPY).

The authoritative reference and input builder live on the scoring server;
editing this copy changes nothing except your own understanding.
"""

import jax, jax.numpy as jnp
import numpy as np

N = 10000
E = 320000
D = 128
H = 128
PROP_STEP = 2
USE_RELU = False


def setup_inputs(seed: int = 0) -> dict:
    key = jax.random.key(seed)
    ks = jax.random.split(key, 12)
    x = jax.random.normal(ks[0], (N, D), dtype=jnp.float32)
    edge_index = jax.random.randint(ks[1], (2, E), 0, N, dtype=jnp.int32)
    s1 = 1.0 / np.sqrt(D)
    s2 = 1.0 / np.sqrt(H)
    W1 = jax.random.uniform(ks[2], (D, H), dtype=jnp.float32, minval=-s1, maxval=s1)
    b1 = jax.random.uniform(ks[3], (H,), dtype=jnp.float32, minval=-s1, maxval=s1)
    gamma = jnp.ones((H,), dtype=jnp.float32)
    beta = jnp.zeros((H,), dtype=jnp.float32)
    rm = jnp.zeros((H,), dtype=jnp.float32)
    rv = jnp.ones((H,), dtype=jnp.float32)
    W2 = jax.random.uniform(ks[4], (H, H), dtype=jnp.float32, minval=-s2, maxval=s2)
    b2 = jax.random.uniform(ks[5], (H,), dtype=jnp.float32, minval=-s2, maxval=s2)
    Wg = jax.random.uniform(ks[6], (H, H), dtype=jnp.float32, minval=-s2, maxval=s2)
    bg = jnp.zeros((H,), dtype=jnp.float32)
    return {"x": x, "edge_index": edge_index, "W1": W1, "b1": b1, "gamma": gamma,
            "beta": beta, "rm": rm, "rv": rv, "W2": W2, "b2": b2, "Wg": Wg, "bg": bg}


def reference(x, edge_index, W1, b1, gamma, beta, rm, rv, W2, b2, Wg, bg):
    # MLP: Linear -> BatchNorm1d (eval, running stats) -> Dropout(identity in eval) -> ReLU -> Linear
    h = x @ W1 + b1
    h = (h - rm) / jnp.sqrt(rv + 1e-5) * gamma + beta
    h = jax.nn.relu(h)
    h = h @ W2 + b2

    src = edge_index[0]
    dst = edge_index[1]
    deg_out = jnp.bincount(src, length=N).astype(jnp.float32)
    deg_in = jnp.bincount(dst, length=N).astype(jnp.float32)
    norm_src = jnp.power(jnp.maximum(deg_out, 1.0), -0.5)
    norm_dst = jnp.power(jnp.maximum(deg_in, 1.0), -0.5)

    # DGL GraphConv with norm='both': D_out^{-1/2} -> weight -> sum-aggregate -> D_in^{-1/2} -> +bias
    for _ in range(PROP_STEP):
        if USE_RELU:
            h = jax.nn.relu(h)
        hh = h * norm_src[:, None]
        hh = hh @ Wg
        agg = jax.ops.segment_sum(hh[src], dst, num_segments=N)
        h = agg * norm_dst[:, None] + bg
    return h

if __name__ == "__main__":
    import jax
    _d = setup_inputs()
    print(jax.jit(kernel)(*tuple(_d.values())))

</pallas_src>

<mosaic_0001>
#map = affine_map<(d0, d1) -> (0, 0)>
module attributes {stable_mosaic.version = 14 : i64} {
  func.func @_prop(%arg0: i32, %arg1: i32, %arg2: memref<10000x128xf32, #tpu.memory_space<hbm>>, %arg3: memref<2560x125xi32, #tpu.memory_space<hbm>>, %arg4: memref<2560x125xi32, #tpu.memory_space<hbm>>, %arg5: memref<20000x128xf32, #tpu.memory_space<hbm>>, %arg6: memref<16x125xi32, #tpu.memory_space<vmem>>, %arg7: memref<80x125xi32, #tpu.memory_space<vmem>>, %arg8: memref<125x128xf32, #tpu.memory_space<vmem>>, %arg9: memref<125x128xf32, #tpu.memory_space<vmem>>, %arg10: memref<10000x128xf32, #tpu.memory_space<vmem_shared>>, %arg11: memref<!tpu.dma_semaphore, #tpu.memory_space<semaphore_mem>>, %arg12: memref<!tpu.dma_semaphore, #tpu.memory_space<semaphore_mem>>, %arg13: memref<!tpu.dma_semaphore, #tpu.memory_space<semaphore_mem>>, %arg14: memref<!tpu.dma_semaphore, #tpu.memory_space<semaphore_mem>>) attributes {dimension_semantics = [#tpu.dimension_semantics<core_parallel>, #tpu.dimension_semantics<subcore_parallel>], iteration_bounds = array<i64: 2, 16>, scalar_prefetch = 0 : i64, scratch_operands = 9 : i64, tpu.core_type = #tpu.core_type<sc_vector_subcore>, window_params = [{transform_indices = #map}, {transform_indices = #map}, {transform_indices = #map}, {transform_indices = #map}]} {
    %mul3A = arith.constant 2 : i32
    %mul3A_0 = arith.muli %arg1, %mul3A : i32
    %add3A = arith.addi %mul3A_0, %arg0 : i32
    %broadcast_in_dim3A = arith.constant 0.000000e+00 : f32
    %broadcast_in_dim3A_1 = vector.broadcast %broadcast_in_dim3A : f32 to vector<16xf32>
    %scan3A = arith.constant 0 : i32
    %scan3A_2 = arith.constant 0 : i32
    %scan3A_3 = arith.constant 125 : i32
    %scan3A_4 = arith.addi %scan3A_2, %scan3A_3 : i32
    %scan3A_5 = arith.constant 1 : i32
    scf.for %scan3A_73 = %scan3A_2 to %scan3A_4 step %scan3A_5  : i32 {
      %swap3A = arith.index_cast %scan3A_73 : i32 to index
      %swap3A_74 = arith.constant 0 : index
      %swap3A_75 = tpu.vector_load %arg8[%swap3A, %swap3A_74] {strides = array<i32>} : memref<125x128xf32, #tpu.memory_space<vmem>>, vector<1x16xf32>,
      %swap3A_76 = vector.shape_cast %swap3A_75 : vector<1x16xf32> to vector<16xf32>
      %swap3A_77 = vector.shape_cast %broadcast_in_dim3A_1 : vector<16xf32> to vector<1x16xf32>
      tpu.vector_store %arg8[%swap3A, %swap3A_74], %swap3A_77 {strides = array<i32>} : memref<125x128xf32, #tpu.memory_space<vmem>>, vector<1x16xf32>,
      %swap3A_78 = arith.index_cast %scan3A_73 : i32 to index
      %swap3A_79 = arith.constant 16 : index
      %swap3A_80 = tpu.vector_load %arg8[%swap3A_78, %swap3A_79] {strides = array<i32>} : memref<125x128xf32, #tpu.memory_space<vmem>>, vector<1x16xf32>,
      %swap3A_81 = vector.shape_cast %swap3A_80 : vector<1x16xf32> to vector<16xf32>
      %swap3A_82 = vector.shape_cast %broadcast_in_dim3A_1 : vector<16xf32> to vector<1x16xf32>
      tpu.vector_store %arg8[%swap3A_78, %swap3A_79], %swap3A_82 {strides = array<i32>} : memref<125x128xf32, #tpu.memory_space<vmem>>, vector<1x16xf32>,
      %swap3A_83 = arith.index_cast %scan3A_73 : i32 to index
      %swap3A_84 = arith.constant 32 : index
      %swap3A_85 = tpu.vector_load %arg8[%swap3A_83, %swap3A_84] {strides = array<i32>} : memref<125x128xf32, #tpu.memory_space<vmem>>, vector<1x16xf32>,
      %swap3A_86 = vector.shape_cast %swap3A_85 : vector<1x16xf32> to vector<16xf32>
      %swap3A_87 = vector.shape_cast %broadcast_in_dim3A_1 : vector<16xf32> to vector<1x16xf32>
      tpu.vector_store %arg8[%swap3A_83, %swap3A_84], %swap3A_87 {strides = array<i32>} : memref<125x128xf32, #tpu.memory_space<vmem>>, vector<1x16xf32>,
      %swap3A_88 = arith.index_cast %scan3A_73 : i32 to index
      %swap3A_89 = arith.constant 48 : index
      %swap3A_90 = tpu.vector_load %arg8[%swap3A_88, %swap3A_89] {strides = array<i32>} : memref<125x128xf32, #tpu.memory_space<vmem>>, vector<1x16xf32>,
      %swap3A_91 = vector.shape_cast %swap3A_90 : vector<1x16xf32> to vector<16xf32>
      %swap3A_92 = vector.shape_cast %broadcast_in_dim3A_1 : vector<16xf32> to vector<1x16xf32>
      tpu.vector_store %arg8[%swap3A_88, %swap3A_89], %swap3A_92 {strides = array<i32>} : memref<125x128xf32, #tpu.memory_space<vmem>>, vector<1x16xf32>,
      %swap3A_93 = arith.index_cast %scan3A_73 : i32 to index
      %swap3A_94 = arith.constant 64 : index
      %swap3A_95 = tpu.vector_load %arg8[%swap3A_93, %swap3A_94] {strides = array<i32>} : memref<125x128xf32, #tpu.memory_space<vmem>>, vector<1x16xf32>,
      %swap3A_96 = vector.shape_cast %swap3A_95 : vector<1x16xf32> to vector<16xf32>
      %swap3A_97 = vector.shape_cast %broadcast_in_dim3A_1 : vector<16xf32> to vector<1x16xf32>
      tpu.vector_store %arg8[%swap3A_93, %swap3A_94], %swap3A_97 {strides = array<i32>} : memref<125x128xf32, #tpu.memory_space<vmem>>, vector<1x16xf32>,
      %swap3A_98 = arith.index_cast %scan3A_73 : i32 to index
      %swap3A_99 = arith.constant 80 : index
      %swap3A_100 = tpu.vector_load %arg8[%swap3A_98, %swap3A_99] {strides = array<i32>} : memref<125x128xf32, #tpu.memory_space<vmem>>, vector<1x16xf32>,
      %swap3A_101 = vector.shape_cast %swap3A_100 : vector<1x16xf32> to vector<16xf32>
      %swap3A_102 = vector.shape_cast %broadcast_in_dim3A_1 : vector<16xf32> to vector<1x16xf32>
      tpu.vector_store %arg8[%swap3A_98, %swap3A_99], %swap3A_102 {strides = array<i32>} : memref<125x128xf32, #tpu.memory_space<vmem>>, vector<1x16xf32>,
      %swap3A_103 = arith.index_cast %scan3A_73 : i32 to index
      %swap3A_104 = arith.constant 96 : index
      %swap3A_105 = tpu.vector_load %arg8[%swap3A_103, %swap3A_104] {strides = array<i32>} : memref<125x128xf32, #tpu.memory_space<vmem>>, vector<1x16xf32>,
      %swap3A_106 = vector.shape_cast %swap3A_105 : vector<1x16xf32> to vector<16xf32>
      %swap3A_107 = vector.shape_cast %broadcast_in_dim3A_1 : vector<16xf32> to vector<1x16xf32>
      tpu.vector_store %arg8[%swap3A_103, %swap3A_104], %swap3A_107 {strides = array<i32>} : memref<125x128xf32, #tpu.memory_space<vmem>>, vector<1x16xf32>,
      %swap3A_108 = arith.index_cast %scan3A_73 : i32 to index
      %swap3A_109 = arith.constant 112 : index
      %swap3A_110 = tpu.vector_load %arg8[%swap3A_108, %swap3A_109] {strides = array<i32>} : memref<125x128xf32, #tpu.memory_space<vmem>>, vector<1x16xf32>,
      %swap3A_111 = vector.shape_cast %swap3A_110 : vector<1x16xf32> to vector<16xf32>
      %swap3A_112 = vector.shape_cast %broadcast_in_dim3A_1 : vector<16xf32> to vector<1x16xf32>
      tpu.vector_store %arg8[%swap3A_108, %swap3A_109], %swap3A_112 {strides = array<i32>} : memref<125x128xf32, #tpu.memory_space<vmem>>, vector<1x16xf32>,
    }
    %scan3A_6 = arith.constant 125 : i32
    %mul3A_7 = arith.constant 625 : i32
    %mul3A_8 = arith.muli %arg1, %mul3A_7 : i32
    %add3A_9 = arith.constant 0 : i32
    %add3A_10 = arith.addi %mul3A_8, %add3A_9 : i32
    "tpu.region"() ({
      %run_scoped3A = tpu.sem_alloc : memref<!tpu.dma_semaphore, #tpu.memory_space<semaphore_mem>>
      %dma_start3A_73 = arith.constant 0 : i32
      %dma_start3A_74 = tpu.memref_slice %arg10[%add3A_10, %dma_start3A_73] : memref<10000x128xf32, #tpu.memory_space<vmem_shared>> -> memref<125x128xf32, #tpu.memory_space<vmem_shared>>
      %dma_start3A_75 = arith.constant 0 : i32
      %dma_start3A_76 = tpu.memref_slice %arg10[%add3A_10, %dma_start3A_75] : memref<10000x128xf32, #tpu.memory_space<vmem_shared>> -> memref<125x128xf32, #tpu.memory_space<vmem_shared>>
      tpu.enqueue_dma source(%arg8 : memref<125x128xf32, #tpu.memory_space<vmem>>) target(%dma_start3A_76 : memref<125x128xf32, #tpu.memory_space<vmem_shared>>) target_semaphore(%run_scoped3A : memref<!tpu.dma_semaphore, #tpu.memory_space<semaphore_mem>>)
      %dma_wait3A_77 = arith.constant 0 : i32
      %dma_wait3A_78 = tpu.memref_slice %arg10[%add3A_10, %dma_wait3A_77] : memref<10000x128xf32, #tpu.memory_space<vmem_shared>> -> memref<125x128xf32, #tpu.memory_space<vmem_shared>>
      %dma_wait3A_79 = arith.constant 0 : i32
      %dma_wait3A_80 = tpu.memref_slice %arg10[%add3A_10, %dma_wait3A_79] : memref<10000x128xf32, #tpu.memory_space<vmem_shared>> -> memref<125x128xf32, #tpu.memory_space<vmem_shared>>
      tpu.wait_dma2 semaphore(%run_scoped3A : memref<!tpu.dma_semaphore, #tpu.memory_space<semaphore_mem>>) src(%arg8 : memref<125x128xf32, #tpu.memory_space<vmem>>) dst(%dma_wait3A_80 : memref<125x128xf32, #tpu.memory_space<vmem_shared>>)
      tpu.yield
    }) : () -> ()
    %mul3A_11 = arith.constant 625 : i32
    %mul3A_12 = arith.muli %arg1, %mul3A_11 : i32
    %add3A_13 = arith.constant 125 : i32
    %add3A_14 = arith.addi %mul3A_12, %add3A_13 : i32
    "tpu.region"() ({
      %run_scoped3A = tpu.sem_alloc : memref<!tpu.dma_semaphore, #tpu.memory_space<semaphore_mem>>
      %dma_start3A_73 = arith.constant 0 : i32
      %dma_start3A_74 = tpu.memref_slice %arg10[%add3A_14, %dma_start3A_73] : memref<10000x128xf32, #tpu.memory_space<vmem_shared>> -> memref<125x128xf32, #tpu.memory_space<vmem_shared>>
      %dma_start3A_75 = arith.constant 0 : i32
      %dma_start3A_76 = tpu.memref_slice %arg10[%add3A_14, %dma_start3A_75] : memref<10000x128xf32, #tpu.memory_space<vmem_shared>> -> memref<125x128xf32, #tpu.memory_space<vmem_shared>>
      tpu.enqueue_dma source(%arg8 : memref<125x128xf32, #tpu.memory_space<vmem>>) target(%dma_start3A_76 : memref<125x128xf32, #tpu.memory_space<vmem_shared>>) target_semaphore(%run_scoped3A : memref<!tpu.dma_semaphore, #tpu.memory_space<semaphore_mem>>)
      %dma_wait3A_77 = arith.constant 0 : i32
      %dma_wait3A_78 = tpu.memref_slice %arg10[%add3A_14, %dma_wait3A_77] : memref<10000x128xf32, #tpu.memory_space<vmem_shared>> -> memref<125x128xf32, #tpu.memory_space<vmem_shared>>
      %dma_wait3A_79 = arith.constant 0 : i32
      %dma_wait3A_80 = tpu.memref_slice %arg10[%add3A_14, %dma_wait3A_79] : memref<10000x128xf32, #tpu.memory_space<vmem_shared>> -> memref<125x128xf32, #tpu.memory_space<vmem_shared>>
      tpu.wait_dma2 semaphore(%run_scoped3A : memref<!tpu.dma_semaphore, #tpu.memory_space<semaphore_mem>>) src(%arg8 : memref<125x128xf32, #tpu.memory_space<vmem>>) dst(%dma_wait3A_80 : memref<125x128xf32, #tpu.memory_space<vmem_shared>>)
      tpu.yield
    }) : () -> ()
    %mul3A_15 = arith.constant 625 : i32
    %mul3A_16 = arith.muli %arg1, %mul3A_15 : i32
    %add3A_17 = arith.constant 250 : i32
    %add3A_18 = arith.addi %mul3A_16, %add3A_17 : i32
    "tpu.region"() ({
      %run_scoped3A = tpu.sem_alloc : memref<!tpu.dma_semaphore, #tpu.memory_space<semaphore_mem>>
      %dma_start3A_73 = arith.constant 0 : i32
      %dma_start3A_74 = tpu.memref_slice %arg10[%add3A_18, %dma_start3A_73] : memref<10000x128xf32, #tpu.memory_space<vmem_shared>> -> memref<125x128xf32, #tpu.memory_space<vmem_shared>>
      %dma_start3A_75 = arith.constant 0 : i32
      %dma_start3A_76 = tpu.memref_slice %arg10[%add3A_18, %dma_start3A_75] : memref<10000x128xf32, #tpu.memory_space<vmem_shared>> -> memref<125x128xf32, #tpu.memory_space<vmem_shared>>
      tpu.enqueue_dma source(%arg8 : memref<125x128xf32, #tpu.memory_space<vmem>>) target(%dma_start3A_76 : memref<125x128xf32, #tpu.memory_space<vmem_shared>>) target_semaphore(%run_scoped3A : memref<!tpu.dma_semaphore, #tpu.memory_space<semaphore_mem>>)
      %dma_wait3A_77 = arith.constant 0 : i32
      %dma_wait3A_78 = tpu.memref_slice %arg10[%add3A_18, %dma_wait3A_77] : memref<10000x128xf32, #tpu.memory_space<vmem_shared>> -> memref<125x128xf32, #tpu.memory_space<vmem_shared>>
      %dma_wait3A_79 = arith.constant 0 : i32
      %dma_wait3A_80 = tpu.memref_slice %arg10[%add3A_18, %dma_wait3A_79] : memref<10000x128xf32, #tpu.memory_space<vmem_shared>> -> memref<125x128xf32, #tpu.memory_space<vmem_shared>>
      tpu.wait_dma2 semaphore(%run_scoped3A : memref<!tpu.dma_semaphore, #tpu.memory_space<semaphore_mem>>) src(%arg8 : memref<125x128xf32, #tpu.memory_space<vmem>>) dst(%dma_wait3A_80 : memref<125x128xf32, #tpu.memory_space<vmem_shared>>)
      tpu.yield
    }) : () -> ()
    %mul3A_19 = arith.constant 625 : i32
    %mul3A_20 = arith.muli %arg1, %mul3A_19 : i32
    %add3A_21 = arith.constant 375 : i32
    %add3A_22 = arith.addi %mul3A_20, %add3A_21 : i32
    "tpu.region"() ({
      %run_scoped3A = tpu.sem_alloc : memref<!tpu.dma_semaphore, #tpu.memory_space<semaphore_mem>>
      %dma_start3A_73 = arith.constant 0 : i32
      %dma_start3A_74 = tpu.memref_slice %arg10[%add3A_22, %dma_start3A_73] : memref<10000x128xf32, #tpu.memory_space<vmem_shared>> -> memref<125x128xf32, #tpu.memory_space<vmem_shared>>
      %dma_start3A_75 = arith.constant 0 : i32
      %dma_start3A_76 = tpu.memref_slice %arg10[%add3A_22, %dma_start3A_75] : memref<10000x128xf32, #tpu.memory_space<vmem_shared>> -> memref<125x128xf32, #tpu.memory_space<vmem_shared>>
      tpu.enqueue_dma source(%arg8 : memref<125x128xf32, #tpu.memory_space<vmem>>) target(%dma_start3A_76 : memref<125x128xf32, #tpu.memory_space<vmem_shared>>) target_semaphore(%run_scoped3A : memref<!tpu.dma_semaphore, #tpu.memory_space<semaphore_mem>>)
      %dma_wait3A_77 = arith.constant 0 : i32
      %dma_wait3A_78 = tpu.memref_slice %arg10[%add3A_22, %dma_wait3A_77] : memref<10000x128xf32, #tpu.memory_space<vmem_shared>> -> memref<125x128xf32, #tpu.memory_space<vmem_shared>>
      %dma_wait3A_79 = arith.constant 0 : i32
      %dma_wait3A_80 = tpu.memref_slice %arg10[%add3A_22, %dma_wait3A_79] : memref<10000x128xf32, #tpu.memory_space<vmem_shared>> -> memref<125x128xf32, #tpu.memory_space<vmem_shared>>
      tpu.wait_dma2 semaphore(%run_scoped3A : memref<!tpu.dma_semaphore, #tpu.memory_space<semaphore_mem>>) src(%arg8 : memref<125x128xf32, #tpu.memory_space<vmem>>) dst(%dma_wait3A_80 : memref<125x128xf32, #tpu.memory_space<vmem_shared>>)
      tpu.yield
    }) : () -> ()
    %mul3A_23 = arith.constant 625 : i32
    %mul3A_24 = arith.muli %arg1, %mul3A_23 : i32
    %add3A_25 = arith.constant 500 : i32
    %add3A_26 = arith.addi %mul3A_24, %add3A_25 : i32
    "tpu.region"() ({
      %run_scoped3A = tpu.sem_alloc : memref<!tpu.dma_semaphore, #tpu.memory_space<semaphore_mem>>
      %dma_start3A_73 = arith.constant 0 : i32
      %dma_start3A_74 = tpu.memref_slice %arg10[%add3A_26, %dma_start3A_73] : memref<10000x128xf32, #tpu.memory_space<vmem_shared>> -> memref<125x128xf32, #tpu.memory_space<vmem_shared>>
      %dma_start3A_75 = arith.constant 0 : i32
      %dma_start3A_76 = tpu.memref_slice %arg10[%add3A_26, %dma_start3A_75] : memref<10000x128xf32, #tpu.memory_space<vmem_shared>> -> memref<125x128xf32, #tpu.memory_space<vmem_shared>>
      tpu.enqueue_dma source(%arg8 : memref<125x128xf32, #tpu.memory_space<vmem>>) target(%dma_start3A_76 : memref<125x128xf32, #tpu.memory_space<vmem_shared>>) target_semaphore(%run_scoped3A : memref<!tpu.dma_semaphore, #tpu.memory_space<semaphore_mem>>)
      %dma_wait3A_77 = arith.constant 0 : i32
      %dma_wait3A_78 = tpu.memref_slice %arg10[%add3A_26, %dma_wait3A_77] : memref<10000x128xf32, #tpu.memory_space<vmem_shared>> -> memref<125x128xf32, #tpu.memory_space<vmem_shared>>
      %dma_wait3A_79 = arith.constant 0 : i32
      %dma_wait3A_80 = tpu.memref_slice %arg10[%add3A_26, %dma_wait3A_79] : memref<10000x128xf32, #tpu.memory_space<vmem_shared>> -> memref<125x128xf32, #tpu.memory_space<vmem_shared>>
      tpu.wait_dma2 semaphore(%run_scoped3A : memref<!tpu.dma_semaphore, #tpu.memory_space<semaphore_mem>>) src(%arg8 : memref<125x128xf32, #tpu.memory_space<vmem>>) dst(%dma_wait3A_80 : memref<125x128xf32, #tpu.memory_space<vmem_shared>>)
      tpu.yield
    }) : () -> ()
    %barrier3A = arith.constant 0 : index
    tpu.barrier barrier_id(%barrier3A)
    %mul3A_27 = arith.constant 80 : i32
    %mul3A_28 = arith.muli %add3A, %mul3A_27 : i32
    "tpu.region"() ({
      %run_scoped3A = tpu.sem_alloc : memref<!tpu.dma_semaphore, #tpu.memory_space<semaphore_mem>>
      %dma_start3A_73 = arith.constant 0 : i32
      %dma_start3A_74 = tpu.memref_slice %arg4[%mul3A_28, %dma_start3A_73] : memref<2560x125xi32, #tpu.memory_space<hbm>> -> memref<80x125xi32, #tpu.memory_space<hbm>>
      %dma_start3A_75 = arith.constant 0 : i32
      %dma_start3A_76 = tpu.memref_slice %arg4[%mul3A_28, %dma_start3A_75] : memref<2560x125xi32, #tpu.memory_space<hbm>> -> memref<80x125xi32, #tpu.memory_space<hbm>>
      tpu.enqueue_dma source(%dma_start3A_76 : memref<80x125xi32, #tpu.memory_space<hbm>>) target(%arg7 : memref<80x125xi32, #tpu.memory_space<vmem>>) target_semaphore(%run_scoped3A : memref<!tpu.dma_semaphore, #tpu.memory_space<semaphore_mem>>)
      %dma_wait3A_77 = arith.constant 0 : i32
      %dma_wait3A_78 = tpu.memref_slice %arg4[%mul3A_28, %dma_wait3A_77] : memref<2560x125xi32, #tpu.memory_space<hbm>> -> memref<80x125xi32, #tpu.memory_space<hbm>>
      %dma_wait3A_79 = arith.constant 0 : i32
      %dma_wait3A_80 = tpu.memref_slice %arg4[%mul3A_28, %dma_wait3A_79] : memref<2560x125xi32, #tpu.memory_space<hbm>> -> memref<80x125xi32, #tpu.memory_space<hbm>>
      tpu.wait_dma2 semaphore(%run_scoped3A : memref<!tpu.dma_semaphore, #tpu.memory_space<semaphore_mem>>) src(%dma_wait3A_80 : memref<80x125xi32, #tpu.memory_space<hbm>>) dst(%arg7 : memref<80x125xi32, #tpu.memory_space<vmem>>)
      tpu.yield
    }) : () -> ()
    %mul3A_29 = arith.constant 80 : i32
    %mul3A_30 = arith.muli %add3A, %mul3A_29 : i32
    "tpu.region"() ({
      %run_scoped3A = tpu.sem_alloc : memref<!tpu.dma_semaphore, #tpu.memory_space<semaphore_mem>>
      %dma_start3A_73 = arith.constant 0 : i32
      %dma_start3A_74 = tpu.memref_slice %arg3[%mul3A_30, %dma_start3A_73] : memref<2560x125xi32, #tpu.memory_space<hbm>> -> memref<16x125xi32, #tpu.memory_space<hbm>>
      %dma_start3A_75 = arith.constant 0 : i32
      %dma_start3A_76 = tpu.memref_slice %arg3[%mul3A_30, %dma_start3A_75] : memref<2560x125xi32, #tpu.memory_space<hbm>> -> memref<16x125xi32, #tpu.memory_space<hbm>>
      tpu.enqueue_dma source(%dma_start3A_76 : memref<16x125xi32, #tpu.memory_space<hbm>>) target(%arg6 : memref<16x125xi32, #tpu.memory_space<vmem>>) target_semaphore(%run_scoped3A : memref<!tpu.dma_semaphore, #tpu.memory_space<semaphore_mem>>)
      %dma_wait3A_77 = arith.constant 0 : i32
      %dma_wait3A_78 = tpu.memref_slice %arg3[%mul3A_30, %dma_wait3A_77] : memref<2560x125xi32, #tpu.memory_space<hbm>> -> memref<16x125xi32, #tpu.memory_space<hbm>>
      %dma_wait3A_79 = arith.constant 0 : i32
      %dma_wait3A_80 = tpu.memref_slice %arg3[%mul3A_30, %dma_wait3A_79] : memref<2560x125xi32, #tpu.memory_space<hbm>> -> memref<16x125xi32, #tpu.memory_space<hbm>>
      tpu.wait_dma2 semaphore(%run_scoped3A : memref<!tpu.dma_semaphore, #tpu.memory_space<semaphore_mem>>) src(%dma_wait3A_80 : memref<16x125xi32, #tpu.memory_space<hbm>>) dst(%arg6 : memref<16x125xi32, #tpu.memory_space<vmem>>)
      tpu.yield
    }) : () -> ()
    %dma_start3A = arith.constant 0 : i32
    %dma_start3A_31 = arith.constant 0 : i32
    %dma_start3A_32 = tpu.memref_slice %arg6[%dma_start3A, %dma_start3A_31] : memref<16x125xi32, #tpu.memory_space<vmem>> -> memref<1x125xi32, #tpu.memory_space<vmem>>
    %dma_start3A_33 = tpu.memref_squeeze %dma_start3A_32 : memref<1x125xi32, #tpu.memory_space<vmem>> -> memref<125xi32, #tpu.memory_space<vmem>>
    %dma_start3A_34 = arith.constant 0 : i32
    %dma_start3A_35 = arith.constant 0 : i32
    %dma_start3A_36 = tpu.memref_slice %arg2[%dma_start3A_34, %dma_start3A_35] : memref<10000x128xf32, #tpu.memory_space<hbm>> -> memref<10000x128xf32, #tpu.memory_space<hbm>>
    tpu.enqueue_indirect_dma source(%dma_start3A_36 : memref<10000x128xf32, #tpu.memory_space<hbm>>) target(%arg8 : memref<125x128xf32, #tpu.memory_space<vmem>>) offsets(%dma_start3A_33 : memref<125xi32, #tpu.memory_space<vmem>>) semaphore(%arg11 : memref<!tpu.dma_semaphore, #tpu.memory_space<semaphore_mem>>)
    %dma_start3A_37 = arith.constant 1 : i32
    %dma_start3A_38 = arith.constant 0 : i32
    %dma_start3A_39 = tpu.memref_slice %arg6[%dma_start3A_37, %dma_start3A_38] : memref<16x125xi32, #tpu.memory_space<vmem>> -> memref<1x125xi32, #tpu.memory_space<vmem>>
    %dma_start3A_40 = tpu.memref_squeeze %dma_start3A_39 : memref<1x125xi32, #tpu.memory_space<vmem>> -> memref<125xi32, #tpu.memory_space<vmem>>
    %dma_start3A_41 = arith.constant 0 : i32
    %dma_start3A_42 = arith.constant 0 : i32
    %dma_start3A_43 = tpu.memref_slice %arg2[%dma_start3A_41, %dma_start3A_42] : memref<10000x128xf32, #tpu.memory_space<hbm>> -> memref<10000x128xf32, #tpu.memory_space<hbm>>
    tpu.enqueue_indirect_dma source(%dma_start3A_43 : memref<10000x128xf32, #tpu.memory_space<hbm>>) target(%arg9 : memref<125x128xf32, #tpu.memory_space<vmem>>) offsets(%dma_start3A_40 : memref<125xi32, #tpu.memory_space<vmem>>) semaphore(%arg12 : memref<!tpu.dma_semaphore, #tpu.memory_space<semaphore_mem>>)
    %scan3A_44 = arith.constant 0 : i32
    %scan3A_45 = arith.constant 0 : i32
    %scan3A_46 = arith.constant 40 : i32
    %scan3A_47 = arith.addi %scan3A_45, %scan3A_46 : i32
    %scan3A_48 = arith.constant 1 : i32
    scf.for %scan3A_73 = %scan3A_45 to %scan3A_47 step %scan3A_48  : i32 {
      %mul3A_74 = arith.constant 2 : i32
      %mul3A_75 = arith.muli %mul3A_74, %scan3A_73 : i32
      %dma_start3A_76 = arith.constant 0 : i32
      %dma_start3A_77 = tpu.memref_slice %arg7[%mul3A_75, %dma_start3A_76] : memref<80x125xi32, #tpu.memory_space<vmem>> -> memref<1x125xi32, #tpu.memory_space<vmem>>
      %dma_start3A_78 = tpu.memref_squeeze %dma_start3A_77 : memref<1x125xi32, #tpu.memory_space<vmem>> -> memref<125xi32, #tpu.memory_space<vmem>>
      %dma_start3A_79 = arith.constant 0 : i32
      %dma_start3A_80 = arith.constant 0 : i32
      %dma_start3A_81 = tpu.memref_slice %arg10[%dma_start3A_79, %dma_start3A_80] : memref<10000x128xf32, #tpu.memory_space<vmem_shared>> -> memref<10000x128xf32, #tpu.memory_space<vmem_shared>>
      tpu.enqueue_indirect_dma source(%arg8 : memref<125x128xf32, #tpu.memory_space<vmem>>) target(%dma_start3A_81 : memref<10000x128xf32, #tpu.memory_space<vmem_shared>>) offsets(%dma_start3A_78 : memref<125xi32, #tpu.memory_space<vmem>>) semaphore(%arg13 : memref<!tpu.dma_semaphore, #tpu.memory_space<semaphore_mem>>) {add = true}
      %dma_wait3A_82 = arith.constant 0 : i32
      %dma_wait3A_83 = tpu.memref_slice %arg7[%mul3A_75, %dma_wait3A_82] : memref<80x125xi32, #tpu.memory_space<vmem>> -> memref<1x125xi32, #tpu.memory_space<vmem>>
      %dma_wait3A_84 = tpu.memref_squeeze %dma_wait3A_83 : memref<1x125xi32, #tpu.memory_space<vmem>> -> memref<125xi32, #tpu.memory_space<vmem>>
      %dma_wait3A_85 = arith.constant 0 : i32
      %dma_wait3A_86 = arith.constant 0 : i32
      %dma_wait3A_87 = tpu.memref_slice %arg10[%dma_wait3A_85, %dma_wait3A_86] : memref<10000x128xf32, #tpu.memory_space<vmem_shared>> -> memref<10000x128xf32, #tpu.memory_space<vmem_shared>>
      tpu.wait_indirect_dma semaphore(%arg13 : memref<!tpu.dma_semaphore, #tpu.memory_space<semaphore_mem>>) src(%arg8 : memref<125x128xf32, #tpu.memory_space<vmem>>) dst(%dma_wait3A_87 : memref<10000x128xf32, #tpu.memory_space<vmem_shared>>)
      %add3A_88 = arith.constant 1 : i32
      %add3A_89 = arith.addi %mul3A_75, %add3A_88 : i32
      %dma_start3A_90 = arith.constant 0 : i32
      %dma_start3A_91 = tpu.memref_slice %arg7[%add3A_89, %dma_start3A_90] : memref<80x125xi32, #tpu.memory_space<vmem>> -> memref<1x125xi32, #tpu.memory_space<vmem>>
      %dma_start3A_92 = tpu.memref_squeeze %dma_start3A_91 : memref<1x125xi32, #tpu.memory_space<vmem>> -> memref<125xi32, #tpu.memory_space<vmem>>
      %dma_start3A_93 = arith.constant 0 : i32
      %dma_start3A_94 = arith.constant 0 : i32
      %dma_start3A_95 = tpu.memref_slice %arg10[%dma_start3A_93, %dma_start3A_94] : memref<10000x128xf32, #tpu.memory_space<vmem_shared>> -> memref<10000x128xf32, #tpu.memory_space<vmem_shared>>
      tpu.enqueue_indirect_dma source(%arg9 : memref<125x128xf32, #tpu.memory_space<vmem>>) target(%dma_start3A_95 : memref<10000x128xf32, #tpu.memory_space<vmem_shared>>) offsets(%dma_start3A_92 : memref<125xi32, #tpu.memory_space<vmem>>) semaphore(%arg14 : memref<!tpu.dma_semaphore, #tpu.memory_space<semaphore_mem>>) {add = true}
      %add3A_96 = arith.constant 1 : i32
      %add3A_97 = arith.addi %mul3A_75, %add3A_96 : i32
      %dma_wait3A_98 = arith.constant 0 : i32
      %dma_wait3A_99 = tpu.memref_slice %arg7[%add3A_97, %dma_wait3A_98] : memref<80x125xi32, #tpu.memory_space<vmem>> -> memref<1x125xi32, #tpu.memory_space<vmem>>
      %dma_wait3A_100 = tpu.memref_squeeze %dma_wait3A_99 : memref<1x125xi32, #tpu.memory_space<vmem>> -> memref<125xi32, #tpu.memory_space<vmem>>
      %dma_wait3A_101 = arith.constant 0 : i32
      %dma_wait3A_102 = arith.constant 0 : i32
      %dma_wait3A_103 = tpu.memref_slice %arg10[%dma_wait3A_101, %dma_wait3A_102] : memref<10000x128xf32, #tpu.memory_space<vmem_shared>> -> memref<10000x128xf32, #tpu.memory_space<vmem_shared>>
      tpu.wait_indirect_dma semaphore(%arg14 : memref<!tpu.dma_semaphore, #tpu.memory_space<semaphore_mem>>) src(%arg9 : memref<125x128xf32, #tpu.memory_space<vmem>>) dst(%dma_wait3A_103 : memref<10000x128xf32, #tpu.memory_space<vmem_shared>>)
    }
    %scan3A_49 = arith.constant 40 : i32
    %dma_wait3A = arith.constant 0 : i32
    %dma_wait3A_50 = arith.constant 0 : i32
    %dma_wait3A_51 = tpu.memref_slice %arg6[%dma_wait3A, %dma_wait3A_50] : memref<16x125xi32, #tpu.memory_space<vmem>> -> memref<1x125xi32, #tpu.memory_space<vmem>>
    %dma_wait3A_52 = tpu.memref_squeeze %dma_wait3A_51 : memref<1x125xi32, #tpu.memory_space<vmem>> -> memref<125xi32, #tpu.memory_space<vmem>>
    %dma_wait3A_53 = arith.constant 0 : i32
    %dma_wait3A_54 = arith.constant 0 : i32
    %dma_wait3A_55 = tpu.memref_slice %arg2[%dma_wait3A_53, %dma_wait3A_54] : memref<10000x128xf32, #tpu.memory_space<hbm>> -> memref<10000x128xf32, #tpu.memory_space<hbm>>
    tpu.wait_indirect_dma semaphore(%arg11 : memref<!tpu.dma_semaphore, #tpu.memory_space<semaphore_mem>>) src(%dma_wait3A_55 : memref<10000x128xf32, #tpu.memory_space<hbm>>) dst(%arg8 : memref<125x128xf32, #tpu.memory_space<vmem>>)
    %dma_wait3A_56 = arith.constant 0 : i32
    %dma_wait3A_57 = arith.constant 0 : i32
    %dma_wait3A_58 = tpu.memref_slice %arg6[%dma_wait3A_56, %dma_wait3A_57] : memref<16x125xi32, #tpu.memory_space<vmem>> -> memref<1x125xi32, #tpu.memory_space<vmem>>
    %dma_wait3A_59 = tpu.memref_squeeze %dma_wait3A_58 : memref<1x125xi32, #tpu.memory_space<vmem>> -> memref<125xi32, #tpu.memory_space<vmem>>
    %dma_wait3A_60 = arith.constant 0 : i32
    %dma_wait3A_61 = arith.constant 0 : i32
    %dma_wait3A_62 = tpu.memref_slice %arg2[%dma_wait3A_60, %dma_wait3A_61] : memref<10000x128xf32, #tpu.memory_space<hbm>> -> memref<10000x128xf32, #tpu.memory_space<hbm>>
    tpu.wait_indirect_dma semaphore(%arg12 : memref<!tpu.dma_semaphore, #tpu.memory_space<semaphore_mem>>) src(%dma_wait3A_62 : memref<10000x128xf32, #tpu.memory_space<hbm>>) dst(%arg9 : memref<125x128xf32, #tpu.memory_space<vmem>>)
    %barrier3A_63 = arith.constant 0 : index
    tpu.barrier barrier_id(%barrier3A_63)
    %mul3A_64 = arith.constant 624 : i32
    %mul3A_65 = arith.muli %arg1, %mul3A_64 : i32
    %mul3A_66 = arith.constant 10000 : i32
    %mul3A_67 = arith.muli %arg0, %mul3A_66 : i32
    %mul3A_68 = arith.constant 624 : i32
    %mul3A_69 = arith.muli %arg1, %mul3A_68 : i32
    %add3A_70 = arith.addi %mul3A_67, %mul3A_69 : i32
    "tpu.region"() ({
      %run_scoped3A = tpu.sem_alloc : memref<!tpu.dma_semaphore, #tpu.memory_space<semaphore_mem>>
      %dma_start3A_73 = arith.constant 0 : i32
      %dma_start3A_74 = tpu.memref_slice %arg5[%add3A_70, %dma_start3A_73] : memref<20000x128xf32, #tpu.memory_space<hbm>> -> memref<624x128xf32, #tpu.memory_space<hbm>>
      %dma_start3A_75 = arith.constant 0 : i32
      %dma_start3A_76 = tpu.memref_slice %arg10[%mul3A_65, %dma_start3A_75] : memref<10000x128xf32, #tpu.memory_space<vmem_shared>> -> memref<624x128xf32, #tpu.memory_space<vmem_shared>>
      tpu.enqueue_dma source(%dma_start3A_76 : memref<624x128xf32, #tpu.memory_space<vmem_shared>>) target(%dma_start3A_74 : memref<624x128xf32, #tpu.memory_space<hbm>>) target_semaphore(%run_scoped3A : memref<!tpu.dma_semaphore, #tpu.memory_space<semaphore_mem>>)
      %dma_wait3A_77 = arith.constant 0 : i32
      %dma_wait3A_78 = tpu.memref_slice %arg5[%add3A_70, %dma_wait3A_77] : memref<20000x128xf32, #tpu.memory_space<hbm>> -> memref<624x128xf32, #tpu.memory_space<hbm>>
      %dma_wait3A_79 = arith.constant 0 : i32
      %dma_wait3A_80 = tpu.memref_slice %arg10[%mul3A_65, %dma_wait3A_79] : memref<10000x128xf32, #tpu.memory_space<vmem_shared>> -> memref<624x128xf32, #tpu.memory_space<vmem_shared>>
      tpu.wait_dma2 semaphore(%run_scoped3A : memref<!tpu.dma_semaphore, #tpu.memory_space<semaphore_mem>>) src(%dma_wait3A_80 : memref<624x128xf32, #tpu.memory_space<vmem_shared>>) dst(%dma_wait3A_78 : memref<624x128xf32, #tpu.memory_space<hbm>>)
      tpu.yield
    }) : () -> ()
    %eq3A = arith.constant 0 : i32
    %eq3A_71 = arith.cmpi eq, %arg1, %eq3A : i32
    %convert_element_type3A = arith.extui %eq3A_71 : i1 to i32
    %cond3A = arith.constant 0 : i32
    %cond3A_72 = arith.cmpi ne, %convert_element_type3A, %cond3A : i32
    scf.if %cond3A_72 {
      %mul3A_73 = arith.constant 10000 : i32
      %mul3A_74 = arith.muli %arg0, %mul3A_73 : i32
      %add3A_75 = arith.constant 9984 : i32
      %add3A_76 = arith.addi %mul3A_74, %add3A_75 : i32
      "tpu.region"() ({
        %run_scoped3A = tpu.sem_alloc : memref<!tpu.dma_semaphore, #tpu.memory_space<semaphore_mem>>
        %dma_start3A_77 = arith.constant 0 : i32
        %dma_start3A_78 = tpu.memref_slice %arg5[%add3A_76, %dma_start3A_77] : memref<20000x128xf32, #tpu.memory_space<hbm>> -> memref<16x128xf32, #tpu.memory_space<hbm>>
        %dma_start3A_79 = arith.constant 9984 : i32
        %dma_start3A_80 = arith.constant 0 : i32
        %dma_start3A_81 = tpu.memref_slice %arg10[%dma_start3A_79, %dma_start3A_80] : memref<10000x128xf32, #tpu.memory_space<vmem_shared>> -> memref<16x128xf32, #tpu.memory_space<vmem_shared>>
        tpu.enqueue_dma source(%dma_start3A_81 : memref<16x128xf32, #tpu.memory_space<vmem_shared>>) target(%dma_start3A_78 : memref<16x128xf32, #tpu.memory_space<hbm>>) target_semaphore(%run_scoped3A : memref<!tpu.dma_semaphore, #tpu.memory_space<semaphore_mem>>)
        %dma_wait3A_82 = arith.constant 0 : i32
        %dma_wait3A_83 = tpu.memref_slice %arg5[%add3A_76, %dma_wait3A_82] : memref<20000x128xf32, #tpu.memory_space<hbm>> -> memref<16x128xf32, #tpu.memory_space<hbm>>
        %dma_wait3A_84 = arith.constant 9984 : i32
        %dma_wait3A_85 = arith.constant 0 : i32
        %dma_wait3A_86 = tpu.memref_slice %arg10[%dma_wait3A_84, %dma_wait3A_85] : memref<10000x128xf32, #tpu.memory_space<vmem_shared>> -> memref<16x128xf32, #tpu.memory_space<vmem_shared>>
        tpu.wait_dma2 semaphore(%run_scoped3A : memref<!tpu.dma_semaphore, #tpu.memory_space<semaphore_mem>>) src(%dma_wait3A_86 : memref<16x128xf32, #tpu.memory_space<vmem_shared>>) dst(%dma_wait3A_83 : memref<16x128xf32, #tpu.memory_space<hbm>>)
        tpu.yield
      }) : () -> ()
    } else {
    }
    return
  }
}

#map = affine_map<(d0, d1) -> (0, 0)>
module attributes {stable_mosaic.version = 14 : i64} {
  func.func @_prop(%arg0: i32, %arg1: i32, %arg2: memref<10000x128xf32, #tpu.memory_space<hbm>>, %arg3: memref<2560x125xi32, #tpu.memory_space<hbm>>, %arg4: memref<2560x125xi32, #tpu.memory_space<hbm>>, %arg5: memref<20000x128xf32, #tpu.memory_space<hbm>>, %arg6: memref<16x125xi32, #tpu.memory_space<vmem>>, %arg7: memref<80x125xi32, #tpu.memory_space<vmem>>, %arg8: memref<125x128xf32, #tpu.memory_space<vmem>>, %arg9: memref<125x128xf32, #tpu.memory_space<vmem>>, %arg10: memref<10000x128xf32, #tpu.memory_space<vmem_shared>>, %arg11: memref<!tpu.dma_semaphore, #tpu.memory_space<semaphore_mem>>, %arg12: memref<!tpu.dma_semaphore, #tpu.memory_space<semaphore_mem>>, %arg13: memref<!tpu.dma_semaphore, #tpu.memory_space<semaphore_mem>>, %arg14: memref<!tpu.dma_semaphore, #tpu.memory_space<semaphore_mem>>) attributes {dimension_semantics = [#tpu.dimension_semantics<core_parallel>, #tpu.dimension_semantics<subcore_parallel>], iteration_bounds = array<i64: 2, 16>, scalar_prefetch = 0 : i64, scratch_operands = 9 : i64, tpu.core_type = #tpu.core_type<sc_vector_subcore>, window_params = [{transform_indices = #map}, {transform_indices = #map}, {transform_indices = #map}, {transform_indices = #map}]} {
    %mul3A = arith.constant 2 : i32
    %mul3A_0 = arith.muli %arg1, %mul3A : i32
    %add3A = arith.addi %mul3A_0, %arg0 : i32
    %broadcast_in_dim3A = arith.constant 0.000000e+00 : f32
    %broadcast_in_dim3A_1 = vector.broadcast %broadcast_in_dim3A : f32 to vector<16xf32>
    %scan3A = arith.constant 0 : i32
    %scan3A_2 = arith.constant 0 : i32
    %scan3A_3 = arith.constant 125 : i32
    %scan3A_4 = arith.addi %scan3A_2, %scan3A_3 : i32
    %scan3A_5 = arith.constant 1 : i32
    scf.for %scan3A_73 = %scan3A_2 to %scan3A_4 step %scan3A_5  : i32 {
      %swap3A = arith.index_cast %scan3A_73 : i32 to index
      %swap3A_74 = arith.constant 0 : index
      %swap3A_75 = tpu.vector_load %arg8[%swap3A, %swap3A_74] {strides = array<i32>} : memref<125x128xf32, #tpu.memory_space<vmem>>, vector<1x16xf32>,
      %swap3A_76 = vector.shape_cast %swap3A_75 : vector<1x16xf32> to vector<16xf32>
      %swap3A_77 = vector.shape_cast %broadcast_in_dim3A_1 : vector<16xf32> to vector<1x16xf32>
      tpu.vector_store %arg8[%swap3A, %swap3A_74], %swap3A_77 {strides = array<i32>} : memref<125x128xf32, #tpu.memory_space<vmem>>, vector<1x16xf32>,
      %swap3A_78 = arith.index_cast %scan3A_73 : i32 to index
      %swap3A_79 = arith.constant 16 : index
      %swap3A_80 = tpu.vector_load %arg8[%swap3A_78, %swap3A_79] {strides = array<i32>} : memref<125x128xf32, #tpu.memory_space<vmem>>, vector<1x16xf32>,
      %swap3A_81 = vector.shape_cast %swap3A_80 : vector<1x16xf32> to vector<16xf32>
      %swap3A_82 = vector.shape_cast %broadcast_in_dim3A_1 : vector<16xf32> to vector<1x16xf32>
      tpu.vector_store %arg8[%swap3A_78, %swap3A_79], %swap3A_82 {strides = array<i32>} : memref<125x128xf32, #tpu.memory_space<vmem>>, vector<1x16xf32>,
      %swap3A_83 = arith.index_cast %scan3A_73 : i32 to index
      %swap3A_84 = arith.constant 32 : index
      %swap3A_85 = tpu.vector_load %arg8[%swap3A_83, %swap3A_84] {strides = array<i32>} : memref<125x128xf32, #tpu.memory_space<vmem>>, vector<1x16xf32>,
      %swap3A_86 = vector.shape_cast %swap3A_85 : vector<1x16xf32> to vector<16xf32>
      %swap3A_87 = vector.shape_cast %broadcast_in_dim3A_1 : vector<16xf32> to vector<1x16xf32>
      tpu.vector_store %arg8[%swap3A_83, %swap3A_84], %swap3A_87 {strides = array<i32>} : memref<125x128xf32, #tpu.memory_space<vmem>>, vector<1x16xf32>,
      %swap3A_88 = arith.index_cast %scan3A_73 : i32 to index
      %swap3A_89 = arith.constant 48 : index
      %swap3A_90 = tpu.vector_load %arg8[%swap3A_88, %swap3A_89] {strides = array<i32>} : memref<125x128xf32, #tpu.memory_space<vmem>>, vector<1x16xf32>,
      %swap3A_91 = vector.shape_cast %swap3A_90 : vector<1x16xf32> to vector<16xf32>
      %swap3A_92 = vector.shape_cast %broadcast_in_dim3A_1 : vector<16xf32> to vector<1x16xf32>
      tpu.vector_store %arg8[%swap3A_88, %swap3A_89], %swap3A_92 {strides = array<i32>} : memref<125x128xf32, #tpu.memory_space<vmem>>, vector<1x16xf32>,
      %swap3A_93 = arith.index_cast %scan3A_73 : i32 to index
      %swap3A_94 = arith.constant 64 : index
      %swap3A_95 = tpu.vector_load %arg8[%swap3A_93, %swap3A_94] {strides = array<i32>} : memref<125x128xf32, #tpu.memory_space<vmem>>, vector<1x16xf32>,
      %swap3A_96 = vector.shape_cast %swap3A_95 : vector<1x16xf32> to vector<16xf32>
      %swap3A_97 = vector.shape_cast %broadcast_in_dim3A_1 : vector<16xf32> to vector<1x16xf32>
      tpu.vector_store %arg8[%swap3A_93, %swap3A_94], %swap3A_97 {strides = array<i32>} : memref<125x128xf32, #tpu.memory_space<vmem>>, vector<1x16xf32>,
      %swap3A_98 = arith.index_cast %scan3A_73 : i32 to index
      %swap3A_99 = arith.constant 80 : index
      %swap3A_100 = tpu.vector_load %arg8[%swap3A_98, %swap3A_99] {strides = array<i32>} : memref<125x128xf32, #tpu.memory_space<vmem>>, vector<1x16xf32>,
      %swap3A_101 = vector.shape_cast %swap3A_100 : vector<1x16xf32> to vector<16xf32>
      %swap3A_102 = vector.shape_cast %broadcast_in_dim3A_1 : vector<16xf32> to vector<1x16xf32>
      tpu.vector_store %arg8[%swap3A_98, %swap3A_99], %swap3A_102 {strides = array<i32>} : memref<125x128xf32, #tpu.memory_space<vmem>>, vector<1x16xf32>,
      %swap3A_103 = arith.index_cast %scan3A_73 : i32 to index
      %swap3A_104 = arith.constant 96 : index
      %swap3A_105 = tpu.vector_load %arg8[%swap3A_103, %swap3A_104] {strides = array<i32>} : memref<125x128xf32, #tpu.memory_space<vmem>>, vector<1x16xf32>,
      %swap3A_106 = vector.shape_cast %swap3A_105 : vector<1x16xf32> to vector<16xf32>
      %swap3A_107 = vector.shape_cast %broadcast_in_dim3A_1 : vector<16xf32> to vector<1x16xf32>
      tpu.vector_store %arg8[%swap3A_103, %swap3A_104], %swap3A_107 {strides = array<i32>} : memref<125x128xf32, #tpu.memory_space<vmem>>, vector<1x16xf32>,
      %swap3A_108 = arith.index_cast %scan3A_73 : i32 to index
      %swap3A_109 = arith.constant 112 : index
      %swap3A_110 = tpu.vector_load %arg8[%swap3A_108, %swap3A_109] {strides = array<i32>} : memref<125x128xf32, #tpu.memory_space<vmem>>, vector<1x16xf32>,
      %swap3A_111 = vector.shape_cast %swap3A_110 : vector<1x16xf32> to vector<16xf32>
      %swap3A_112 = vector.shape_cast %broadcast_in_dim3A_1 : vector<16xf32> to vector<1x16xf32>
      tpu.vector_store %arg8[%swap3A_108, %swap3A_109], %swap3A_112 {strides = array<i32>} : memref<125x128xf32, #tpu.memory_space<vmem>>, vector<1x16xf32>,
    }
    %scan3A_6 = arith.constant 125 : i32
    %mul3A_7 = arith.constant 625 : i32
    %mul3A_8 = arith.muli %arg1, %mul3A_7 : i32
    %add3A_9 = arith.constant 0 : i32
    %add3A_10 = arith.addi %mul3A_8, %add3A_9 : i32
    "tpu.region"() ({
      %run_scoped3A = tpu.sem_alloc : memref<!tpu.dma_semaphore, #tpu.memory_space<semaphore_mem>>
      %dma_start3A_73 = arith.constant 0 : i32
      %dma_start3A_74 = tpu.memref_slice %arg10[%add3A_10, %dma_start3A_73] : memref<10000x128xf32, #tpu.memory_space<vmem_shared>> -> memref<125x128xf32, #tpu.memory_space<vmem_shared>>
      %dma_start3A_75 = arith.constant 0 : i32
      %dma_start3A_76 = tpu.memref_slice %arg10[%add3A_10, %dma_start3A_75] : memref<10000x128xf32, #tpu.memory_space<vmem_shared>> -> memref<125x128xf32, #tpu.memory_space<vmem_shared>>
      tpu.enqueue_dma source(%arg8 : memref<125x128xf32, #tpu.memory_space<vmem>>) target(%dma_start3A_76 : memref<125x128xf32, #tpu.memory_space<vmem_shared>>) target_semaphore(%run_scoped3A : memref<!tpu.dma_semaphore, #tpu.memory_space<semaphore_mem>>)
      %dma_wait3A_77 = arith.constant 0 : i32
      %dma_wait3A_78 = tpu.memref_slice %arg10[%add3A_10, %dma_wait3A_77] : memref<10000x128xf32, #tpu.memory_space<vmem_shared>> -> memref<125x128xf32, #tpu.memory_space<vmem_shared>>
      %dma_wait3A_79 = arith.constant 0 : i32
      %dma_wait3A_80 = tpu.memref_slice %arg10[%add3A_10, %dma_wait3A_79] : memref<10000x128xf32, #tpu.memory_space<vmem_shared>> -> memref<125x128xf32, #tpu.memory_space<vmem_shared>>
      tpu.wait_dma2 semaphore(%run_scoped3A : memref<!tpu.dma_semaphore, #tpu.memory_space<semaphore_mem>>) src(%arg8 : memref<125x128xf32, #tpu.memory_space<vmem>>) dst(%dma_wait3A_80 : memref<125x128xf32, #tpu.memory_space<vmem_shared>>)
      tpu.yield
    }) : () -> ()
    %mul3A_11 = arith.constant 625 : i32
    %mul3A_12 = arith.muli %arg1, %mul3A_11 : i32
    %add3A_13 = arith.constant 125 : i32
    %add3A_14 = arith.addi %mul3A_12, %add3A_13 : i32
    "tpu.region"() ({
      %run_scoped3A = tpu.sem_alloc : memref<!tpu.dma_semaphore, #tpu.memory_space<semaphore_mem>>
      %dma_start3A_73 = arith.constant 0 : i32
      %dma_start3A_74 = tpu.memref_slice %arg10[%add3A_14, %dma_start3A_73] : memref<10000x128xf32, #tpu.memory_space<vmem_shared>> -> memref<125x128xf32, #tpu.memory_space<vmem_shared>>
      %dma_start3A_75 = arith.constant 0 : i32
      %dma_start3A_76 = tpu.memref_slice %arg10[%add3A_14, %dma_start3A_75] : memref<10000x128xf32, #tpu.memory_space<vmem_shared>> -> memref<125x128xf32, #tpu.memory_space<vmem_shared>>
      tpu.enqueue_dma source(%arg8 : memref<125x128xf32, #tpu.memory_space<vmem>>) target(%dma_start3A_76 : memref<125x128xf32, #tpu.memory_space<vmem_shared>>) target_semaphore(%run_scoped3A : memref<!tpu.dma_semaphore, #tpu.memory_space<semaphore_mem>>)
      %dma_wait3A_77 = arith.constant 0 : i32
      %dma_wait3A_78 = tpu.memref_slice %arg10[%add3A_14, %dma_wait3A_77] : memref<10000x128xf32, #tpu.memory_space<vmem_shared>> -> memref<125x128xf32, #tpu.memory_space<vmem_shared>>
      %dma_wait3A_79 = arith.constant 0 : i32
      %dma_wait3A_80 = tpu.memref_slice %arg10[%add3A_14, %dma_wait3A_79] : memref<10000x128xf32, #tpu.memory_space<vmem_shared>> -> memref<125x128xf32, #tpu.memory_space<vmem_shared>>
      tpu.wait_dma2 semaphore(%run_scoped3A : memref<!tpu.dma_semaphore, #tpu.memory_space<semaphore_mem>>) src(%arg8 : memref<125x128xf32, #tpu.memory_space<vmem>>) dst(%dma_wait3A_80 : memref<125x128xf32, #tpu.memory_space<vmem_shared>>)
      tpu.yield
    }) : () -> ()
    %mul3A_15 = arith.constant 625 : i32
    %mul3A_16 = arith.muli %arg1, %mul3A_15 : i32
    %add3A_17 = arith.constant 250 : i32
    %add3A_18 = arith.addi %mul3A_16, %add3A_17 : i32
    "tpu.region"() ({
      %run_scoped3A = tpu.sem_alloc : memref<!tpu.dma_semaphore, #tpu.memory_space<semaphore_mem>>
      %dma_start3A_73 = arith.constant 0 : i32
      %dma_start3A_74 = tpu.memref_slice %arg10[%add3A_18, %dma_start3A_73] : memref<10000x128xf32, #tpu.memory_space<vmem_shared>> -> memref<125x128xf32, #tpu.memory_space<vmem_shared>>
      %dma_start3A_75 = arith.constant 0 : i32
      %dma_start3A_76 = tpu.memref_slice %arg10[%add3A_18, %dma_start3A_75] : memref<10000x128xf32, #tpu.memory_space<vmem_shared>> -> memref<125x128xf32, #tpu.memory_space<vmem_shared>>
      tpu.enqueue_dma source(%arg8 : memref<125x128xf32, #tpu.memory_space<vmem>>) target(%dma_start3A_76 : memref<125x128xf32, #tpu.memory_space<vmem_shared>>) target_semaphore(%run_scoped3A : memref<!tpu.dma_semaphore, #tpu.memory_space<semaphore_mem>>)
      %dma_wait3A_77 = arith.constant 0 : i32
      %dma_wait3A_78 = tpu.memref_slice %arg10[%add3A_18, %dma_wait3A_77] : memref<10000x128xf32, #tpu.memory_space<vmem_shared>> -> memref<125x128xf32, #tpu.memory_space<vmem_shared>>
      %dma_wait3A_79 = arith.constant 0 : i32
      %dma_wait3A_80 = tpu.memref_slice %arg10[%add3A_18, %dma_wait3A_79] : memref<10000x128xf32, #tpu.memory_space<vmem_shared>> -> memref<125x128xf32, #tpu.memory_space<vmem_shared>>
      tpu.wait_dma2 semaphore(%run_scoped3A : memref<!tpu.dma_semaphore, #tpu.memory_space<semaphore_mem>>) src(%arg8 : memref<125x128xf32, #tpu.memory_space<vmem>>) dst(%dma_wait3A_80 : memref<125x128xf32, #tpu.memory_space<vmem_shared>>)
      tpu.yield
    }) : () -> ()
    %mul3A_19 = arith.constant 625 : i32
    %mul3A_20 = arith.muli %arg1, %mul3A_19 : i32
    %add3A_21 = arith.constant 375 : i32
    %add3A_22 = arith.addi %mul3A_20, %add3A_21 : i32
    "tpu.region"() ({
      %run_scoped3A = tpu.sem_alloc : memref<!tpu.dma_semaphore, #tpu.memory_space<semaphore_mem>>
      %dma_start3A_73 = arith.constant 0 : i32
      %dma_start3A_74 = tpu.memref_slice %arg10[%add3A_22, %dma_start3A_73] : memref<10000x128xf32, #tpu.memory_space<vmem_shared>> -> memref<125x128xf32, #tpu.memory_space<vmem_shared>>
      %dma_start3A_75 = arith.constant 0 : i32
      %dma_start3A_76 = tpu.memref_slice %arg10[%add3A_22, %dma_start3A_75] : memref<10000x128xf32, #tpu.memory_space<vmem_shared>> -> memref<125x128xf32, #tpu.memory_space<vmem_shared>>
      tpu.enqueue_dma source(%arg8 : memref<125x128xf32, #tpu.memory_space<vmem>>) target(%dma_start3A_76 : memref<125x128xf32, #tpu.memory_space<vmem_shared>>) target_semaphore(%run_scoped3A : memref<!tpu.dma_semaphore, #tpu.memory_space<semaphore_mem>>)
      %dma_wait3A_77 = arith.constant 0 : i32
      %dma_wait3A_78 = tpu.memref_slice %arg10[%add3A_22, %dma_wait3A_77] : memref<10000x128xf32, #tpu.memory_space<vmem_shared>> -> memref<125x128xf32, #tpu.memory_space<vmem_shared>>
      %dma_wait3A_79 = arith.constant 0 : i32
      %dma_wait3A_80 = tpu.memref_slice %arg10[%add3A_22, %dma_wait3A_79] : memref<10000x128xf32, #tpu.memory_space<vmem_shared>> -> memref<125x128xf32, #tpu.memory_space<vmem_shared>>
      tpu.wait_dma2 semaphore(%run_scoped3A : memref<!tpu.dma_semaphore, #tpu.memory_space<semaphore_mem>>) src(%arg8 : memref<125x128xf32, #tpu.memory_space<vmem>>) dst(%dma_wait3A_80 : memref<125x128xf32, #tpu.memory_space<vmem_shared>>)
      tpu.yield
    }) : () -> ()
    %mul3A_23 = arith.constant 625 : i32
    %mul3A_24 = arith.muli %arg1, %mul3A_23 : i32
    %add3A_25 = arith.constant 500 : i32
    %add3A_26 = arith.addi %mul3A_24, %add3A_25 : i32
    "tpu.region"() ({
      %run_scoped3A = tpu.sem_alloc : memref<!tpu.dma_semaphore, #tpu.memory_space<semaphore_mem>>
      %dma_start3A_73 = arith.constant 0 : i32
      %dma_start3A_74 = tpu.memref_slice %arg10[%add3A_26, %dma_start3A_73] : memref<10000x128xf32, #tpu.memory_space<vmem_shared>> -> memref<125x128xf32, #tpu.memory_space<vmem_shared>>
      %dma_start3A_75 = arith.constant 0 : i32
      %dma_start3A_76 = tpu.memref_slice %arg10[%add3A_26, %dma_start3A_75] : memref<10000x128xf32, #tpu.memory_space<vmem_shared>> -> memref<125x128xf32, #tpu.memory_space<vmem_shared>>
      tpu.enqueue_dma source(%arg8 : memref<125x128xf32, #tpu.memory_space<vmem>>) target(%dma_start3A_76 : memref<125x128xf32, #tpu.memory_space<vmem_shared>>) target_semaphore(%run_scoped3A : memref<!tpu.dma_semaphore, #tpu.memory_space<semaphore_mem>>)
      %dma_wait3A_77 = arith.constant 0 : i32
      %dma_wait3A_78 = tpu.memref_slice %arg10[%add3A_26, %dma_wait3A_77] : memref<10000x128xf32, #tpu.memory_space<vmem_shared>> -> memref<125x128xf32, #tpu.memory_space<vmem_shared>>
      %dma_wait3A_79 = arith.constant 0 : i32
      %dma_wait3A_80 = tpu.memref_slice %arg10[%add3A_26, %dma_wait3A_79] : memref<10000x128xf32, #tpu.memory_space<vmem_shared>> -> memref<125x128xf32, #tpu.memory_space<vmem_shared>>
      tpu.wait_dma2 semaphore(%run_scoped3A : memref<!tpu.dma_semaphore, #tpu.memory_space<semaphore_mem>>) src(%arg8 : memref<125x128xf32, #tpu.memory_space<vmem>>) dst(%dma_wait3A_80 : memref<125x128xf32, #tpu.memory_space<vmem_shared>>)
      tpu.yield
    }) : () -> ()
    %barrier3A = arith.constant 0 : index
    tpu.barrier barrier_id(%barrier3A)
    %mul3A_27 = arith.constant 80 : i32
    %mul3A_28 = arith.muli %add3A, %mul3A_27 : i32
    "tpu.region"() ({
      %run_scoped3A = tpu.sem_alloc : memref<!tpu.dma_semaphore, #tpu.memory_space<semaphore_mem>>
      %dma_start3A_73 = arith.constant 0 : i32
      %dma_start3A_74 = tpu.memref_slice %arg4[%mul3A_28, %dma_start3A_73] : memref<2560x125xi32, #tpu.memory_space<hbm>> -> memref<80x125xi32, #tpu.memory_space<hbm>>
      %dma_start3A_75 = arith.constant 0 : i32
      %dma_start3A_76 = tpu.memref_slice %arg4[%mul3A_28, %dma_start3A_75] : memref<2560x125xi32, #tpu.memory_space<hbm>> -> memref<80x125xi32, #tpu.memory_space<hbm>>
      tpu.enqueue_dma source(%dma_start3A_76 : memref<80x125xi32, #tpu.memory_space<hbm>>) target(%arg7 : memref<80x125xi32, #tpu.memory_space<vmem>>) target_semaphore(%run_scoped3A : memref<!tpu.dma_semaphore, #tpu.memory_space<semaphore_mem>>)
      %dma_wait3A_77 = arith.constant 0 : i32
      %dma_wait3A_78 = tpu.memref_slice %arg4[%mul3A_28, %dma_wait3A_77] : memref<2560x125xi32, #tpu.memory_space<hbm>> -> memref<80x125xi32, #tpu.memory_space<hbm>>
      %dma_wait3A_79 = arith.constant 0 : i32
      %dma_wait3A_80 = tpu.memref_slice %arg4[%mul3A_28, %dma_wait3A_79] : memref<2560x125xi32, #tpu.memory_space<hbm>> -> memref<80x125xi32, #tpu.memory_space<hbm>>
      tpu.wait_dma2 semaphore(%run_scoped3A : memref<!tpu.dma_semaphore, #tpu.memory_space<semaphore_mem>>) src(%dma_wait3A_80 : memref<80x125xi32, #tpu.memory_space<hbm>>) dst(%arg7 : memref<80x125xi32, #tpu.memory_space<vmem>>)
      tpu.yield
    }) : () -> ()
    %mul3A_29 = arith.constant 80 : i32
    %mul3A_30 = arith.muli %add3A, %mul3A_29 : i32
    "tpu.region"() ({
      %run_scoped3A = tpu.sem_alloc : memref<!tpu.dma_semaphore, #tpu.memory_space<semaphore_mem>>
      %dma_start3A_73 = arith.constant 0 : i32
      %dma_start3A_74 = tpu.memref_slice %arg3[%mul3A_30, %dma_start3A_73] : memref<2560x125xi32, #tpu.memory_space<hbm>> -> memref<16x125xi32, #tpu.memory_space<hbm>>
      %dma_start3A_75 = arith.constant 0 : i32
      %dma_start3A_76 = tpu.memref_slice %arg3[%mul3A_30, %dma_start3A_75] : memref<2560x125xi32, #tpu.memory_space<hbm>> -> memref<16x125xi32, #tpu.memory_space<hbm>>
      tpu.enqueue_dma source(%dma_start3A_76 : memref<16x125xi32, #tpu.memory_space<hbm>>) target(%arg6 : memref<16x125xi32, #tpu.memory_space<vmem>>) target_semaphore(%run_scoped3A : memref<!tpu.dma_semaphore, #tpu.memory_space<semaphore_mem>>)
      %dma_wait3A_77 = arith.constant 0 : i32
      %dma_wait3A_78 = tpu.memref_slice %arg3[%mul3A_30, %dma_wait3A_77] : memref<2560x125xi32, #tpu.memory_space<hbm>> -> memref<16x125xi32, #tpu.memory_space<hbm>>
      %dma_wait3A_79 = arith.constant 0 : i32
      %dma_wait3A_80 = tpu.memref_slice %arg3[%mul3A_30, %dma_wait3A_79] : memref<2560x125xi32, #tpu.memory_space<hbm>> -> memref<16x125xi32, #tpu.memory_space<hbm>>
      tpu.wait_dma2 semaphore(%run_scoped3A : memref<!tpu.dma_semaphore, #tpu.memory_space<semaphore_mem>>) src(%dma_wait3A_80 : memref<16x125xi32, #tpu.memory_space<hbm>>) dst(%arg6 : memref<16x125xi32, #tpu.memory_space<vmem>>)
      tpu.yield
    }) : () -> ()
    %dma_start3A = arith.constant 0 : i32
    %dma_start3A_31 = arith.constant 0 : i32
    %dma_start3A_32 = tpu.memref_slice %arg6[%dma_start3A, %dma_start3A_31] : memref<16x125xi32, #tpu.memory_space<vmem>> -> memref<1x125xi32, #tpu.memory_space<vmem>>
    %dma_start3A_33 = tpu.memref_squeeze %dma_start3A_32 : memref<1x125xi32, #tpu.memory_space<vmem>> -> memref<125xi32, #tpu.memory_space<vmem>>
    %dma_start3A_34 = arith.constant 0 : i32
    %dma_start3A_35 = arith.constant 0 : i32
    %dma_start3A_36 = tpu.memref_slice %arg2[%dma_start3A_34, %dma_start3A_35] : memref<10000x128xf32, #tpu.memory_space<hbm>> -> memref<10000x128xf32, #tpu.memory_space<hbm>>
    tpu.enqueue_indirect_dma source(%dma_start3A_36 : memref<10000x128xf32, #tpu.memory_space<hbm>>) target(%arg8 : memref<125x128xf32, #tpu.memory_space<vmem>>) offsets(%dma_start3A_33 : memref<125xi32, #tpu.memory_space<vmem>>) semaphore(%arg11 : memref<!tpu.dma_semaphore, #tpu.memory_space<semaphore_mem>>)
    %dma_start3A_37 = arith.constant 1 : i32
    %dma_start3A_38 = arith.constant 0 : i32
    %dma_start3A_39 = tpu.memref_slice %arg6[%dma_start3A_37, %dma_start3A_38] : memref<16x125xi32, #tpu.memory_space<vmem>> -> memref<1x125xi32, #tpu.memory_space<vmem>>
    %dma_start3A_40 = tpu.memref_squeeze %dma_start3A_39 : memref<1x125xi32, #tpu.memory_space<vmem>> -> memref<125xi32, #tpu.memory_space<vmem>>
    %dma_start3A_41 = arith.constant 0 : i32
    %dma_start3A_42 = arith.constant 0 : i32
    %dma_start3A_43 = tpu.memref_slice %arg2[%dma_start3A_41, %dma_start3A_42] : memref<10000x128xf32, #tpu.memory_space<hbm>> -> memref<10000x128xf32, #tpu.memory_space<hbm>>
    tpu.enqueue_indirect_dma source(%dma_start3A_43 : memref<10000x128xf32, #tpu.memory_space<hbm>>) target(%arg9 : memref<125x128xf32, #tpu.memory_space<vmem>>) offsets(%dma_start3A_40 : memref<125xi32, #tpu.memory_space<vmem>>) semaphore(%arg12 : memref<!tpu.dma_semaphore, #tpu.memory_space<semaphore_mem>>)
    %scan3A_44 = arith.constant 0 : i32
    %scan3A_45 = arith.constant 0 : i32
    %scan3A_46 = arith.constant 40 : i32
    %scan3A_47 = arith.addi %scan3A_45, %scan3A_46 : i32
    %scan3A_48 = arith.constant 1 : i32
    scf.for %scan3A_73 = %scan3A_45 to %scan3A_47 step %scan3A_48  : i32 {
      %mul3A_74 = arith.constant 2 : i32
      %mul3A_75 = arith.muli %mul3A_74, %scan3A_73 : i32
      %dma_start3A_76 = arith.constant 0 : i32
      %dma_start3A_77 = tpu.memref_slice %arg7[%mul3A_75, %dma_start3A_76] : memref<80x125xi32, #tpu.memory_space<vmem>> -> memref<1x125xi32, #tpu.memory_space<vmem>>
      %dma_start3A_78 = tpu.memref_squeeze %dma_start3A_77 : memref<1x125xi32, #tpu.memory_space<vmem>> -> memref<125xi32, #tpu.memory_space<vmem>>
      %dma_start3A_79 = arith.constant 0 : i32
      %dma_start3A_80 = arith.constant 0 : i32
      %dma_start3A_81 = tpu.memref_slice %arg10[%dma_start3A_79, %dma_start3A_80] : memref<10000x128xf32, #tpu.memory_space<vmem_shared>> -> memref<10000x128xf32, #tpu.memory_space<vmem_shared>>
      tpu.enqueue_indirect_dma source(%arg8 : memref<125x128xf32, #tpu.memory_space<vmem>>) target(%dma_start3A_81 : memref<10000x128xf32, #tpu.memory_space<vmem_shared>>) offsets(%dma_start3A_78 : memref<125xi32, #tpu.memory_space<vmem>>) semaphore(%arg13 : memref<!tpu.dma_semaphore, #tpu.memory_space<semaphore_mem>>) {add = true}
      %dma_wait3A_82 = arith.constant 0 : i32
      %dma_wait3A_83 = tpu.memref_slice %arg7[%mul3A_75, %dma_wait3A_82] : memref<80x125xi32, #tpu.memory_space<vmem>> -> memref<1x125xi32, #tpu.memory_space<vmem>>
      %dma_wait3A_84 = tpu.memref_squeeze %dma_wait3A_83 : memref<1x125xi32, #tpu.memory_space<vmem>> -> memref<125xi32, #tpu.memory_space<vmem>>
      %dma_wait3A_85 = arith.constant 0 : i32
      %dma_wait3A_86 = arith.constant 0 : i32
      %dma_wait3A_87 = tpu.memref_slice %arg10[%dma_wait3A_85, %dma_wait3A_86] : memref<10000x128xf32, #tpu.memory_space<vmem_shared>> -> memref<10000x128xf32, #tpu.memory_space<vmem_shared>>
      tpu.wait_indirect_dma semaphore(%arg13 : memref<!tpu.dma_semaphore, #tpu.memory_space<semaphore_mem>>) src(%arg8 : memref<125x128xf32, #tpu.memory_space<vmem>>) dst(%dma_wait3A_87 : memref<10000x128xf32, #tpu.memory_space<vmem_shared>>)
      %add3A_88 = arith.constant 1 : i32
      %add3A_89 = arith.addi %mul3A_75, %add3A_88 : i32
      %dma_start3A_90 = arith.constant 0 : i32
      %dma_start3A_91 = tpu.memref_slice %arg7[%add3A_89, %dma_start3A_90] : memref<80x125xi32, #tpu.memory_space<vmem>> -> memref<1x125xi32, #tpu.memory_space<vmem>>
      %dma_start3A_92 = tpu.memref_squeeze %dma_start3A_91 : memref<1x125xi32, #tpu.memory_space<vmem>> -> memref<125xi32, #tpu.memory_space<vmem>>
      %dma_start3A_93 = arith.constant 0 : i32
      %dma_start3A_94 = arith.constant 0 : i32
      %dma_start3A_95 = tpu.memref_slice %arg10[%dma_start3A_93, %dma_start3A_94] : memref<10000x128xf32, #tpu.memory_space<vmem_shared>> -> memref<10000x128xf32, #tpu.memory_space<vmem_shared>>
      tpu.enqueue_indirect_dma source(%arg9 : memref<125x128xf32, #tpu.memory_space<vmem>>) target(%dma_start3A_95 : memref<10000x128xf32, #tpu.memory_space<vmem_shared>>) offsets(%dma_start3A_92 : memref<125xi32, #tpu.memory_space<vmem>>) semaphore(%arg14 : memref<!tpu.dma_semaphore, #tpu.memory_space<semaphore_mem>>) {add = true}
      %add3A_96 = arith.constant 1 : i32
      %add3A_97 = arith.addi %mul3A_75, %add3A_96 : i32
      %dma_wait3A_98 = arith.constant 0 : i32
      %dma_wait3A_99 = tpu.memref_slice %arg7[%add3A_97, %dma_wait3A_98] : memref<80x125xi32, #tpu.memory_space<vmem>> -> memref<1x125xi32, #tpu.memory_space<vmem>>
      %dma_wait3A_100 = tpu.memref_squeeze %dma_wait3A_99 : memref<1x125xi32, #tpu.memory_space<vmem>> -> memref<125xi32, #tpu.memory_space<vmem>>
      %dma_wait3A_101 = arith.constant 0 : i32
      %dma_wait3A_102 = arith.constant 0 : i32
      %dma_wait3A_103 = tpu.memref_slice %arg10[%dma_wait3A_101, %dma_wait3A_102] : memref<10000x128xf32, #tpu.memory_space<vmem_shared>> -> memref<10000x128xf32, #tpu.memory_space<vmem_shared>>
      tpu.wait_indirect_dma semaphore(%arg14 : memref<!tpu.dma_semaphore, #tpu.memory_space<semaphore_mem>>) src(%arg9 : memref<125x128xf32, #tpu.memory_space<vmem>>) dst(%dma_wait3A_103 : memref<10000x128xf32, #tpu.memory_space<vmem_shared>>)
    }
    %scan3A_49 = arith.constant 40 : i32
    %dma_wait3A = arith.constant 0 : i32
    %dma_wait3A_50 = arith.constant 0 : i32
    %dma_wait3A_51 = tpu.memref_slice %arg6[%dma_wait3A, %dma_wait3A_50] : memref<16x125xi32, #tpu.memory_space<vmem>> -> memref<1x125xi32, #tpu.memory_space<vmem>>
    %dma_wait3A_52 = tpu.memref_squeeze %dma_wait3A_51 : memref<1x125xi32, #tpu.memory_space<vmem>> -> memref<125xi32, #tpu.memory_space<vmem>>
    %dma_wait3A_53 = arith.constant 0 : i32
    %dma_wait3A_54 = arith.constant 0 : i32
    %dma_wait3A_55 = tpu.memref_slice %arg2[%dma_wait3A_53, %dma_wait3A_54] : memref<10000x128xf32, #tpu.memory_space<hbm>> -> memref<10000x128xf32, #tpu.memory_space<hbm>>
    tpu.wait_indirect_dma semaphore(%arg11 : memref<!tpu.dma_semaphore, #tpu.memory_space<semaphore_mem>>) src(%dma_wait3A_55 : memref<10000x128xf32, #tpu.memory_space<hbm>>) dst(%arg8 : memref<125x128xf32, #tpu.memory_space<vmem>>)
    %dma_wait3A_56 = arith.constant 0 : i32
    %dma_wait3A_57 = arith.constant 0 : i32
    %dma_wait3A_58 = tpu.memref_slice %arg6[%dma_wait3A_56, %dma_wait3A_57] : memref<16x125xi32, #tpu.memory_space<vmem>> -> memref<1x125xi32, #tpu.memory_space<vmem>>
    %dma_wait3A_59 = tpu.memref_squeeze %dma_wait3A_58 : memref<1x125xi32, #tpu.memory_space<vmem>> -> memref<125xi32, #tpu.memory_space<vmem>>
    %dma_wait3A_60 = arith.constant 0 : i32
    %dma_wait3A_61 = arith.constant 0 : i32
    %dma_wait3A_62 = tpu.memref_slice %arg2[%dma_wait3A_60, %dma_wait3A_61] : memref<10000x128xf32, #tpu.memory_space<hbm>> -> memref<10000x128xf32, #tpu.memory_space<hbm>>
    tpu.wait_indirect_dma semaphore(%arg12 : memref<!tpu.dma_semaphore, #tpu.memory_space<semaphore_mem>>) src(%dma_wait3A_62 : memref<10000x128xf32, #tpu.memory_space<hbm>>) dst(%arg9 : memref<125x128xf32, #tpu.memory_space<vmem>>)
    %barrier3A_63 = arith.constant 0 : index
    tpu.barrier barrier_id(%barrier3A_63)
    %mul3A_64 = arith.constant 624 : i32
    %mul3A_65 = arith.muli %arg1, %mul3A_64 : i32
    %mul3A_66 = arith.constant 10000 : i32
    %mul3A_67 = arith.muli %arg0, %mul3A_66 : i32
    %mul3A_68 = arith.constant 624 : i32
    %mul3A_69 = arith.muli %arg1, %mul3A_68 : i32
    %add3A_70 = arith.addi %mul3A_67, %mul3A_69 : i32
    "tpu.region"() ({
      %run_scoped3A = tpu.sem_alloc : memref<!tpu.dma_semaphore, #tpu.memory_space<semaphore_mem>>
      %dma_start3A_73 = arith.constant 0 : i32
      %dma_start3A_74 = tpu.memref_slice %arg5[%add3A_70, %dma_start3A_73] : memref<20000x128xf32, #tpu.memory_space<hbm>> -> memref<624x128xf32, #tpu.memory_space<hbm>>
      %dma_start3A_75 = arith.constant 0 : i32
      %dma_start3A_76 = tpu.memref_slice %arg10[%mul3A_65, %dma_start3A_75] : memref<10000x128xf32, #tpu.memory_space<vmem_shared>> -> memref<624x128xf32, #tpu.memory_space<vmem_shared>>
      tpu.enqueue_dma source(%dma_start3A_76 : memref<624x128xf32, #tpu.memory_space<vmem_shared>>) target(%dma_start3A_74 : memref<624x128xf32, #tpu.memory_space<hbm>>) target_semaphore(%run_scoped3A : memref<!tpu.dma_semaphore, #tpu.memory_space<semaphore_mem>>)
      %dma_wait3A_77 = arith.constant 0 : i32
      %dma_wait3A_78 = tpu.memref_slice %arg5[%add3A_70, %dma_wait3A_77] : memref<20000x128xf32, #tpu.memory_space<hbm>> -> memref<624x128xf32, #tpu.memory_space<hbm>>
      %dma_wait3A_79 = arith.constant 0 : i32
      %dma_wait3A_80 = tpu.memref_slice %arg10[%mul3A_65, %dma_wait3A_79] : memref<10000x128xf32, #tpu.memory_space<vmem_shared>> -> memref<624x128xf32, #tpu.memory_space<vmem_shared>>
      tpu.wait_dma2 semaphore(%run_scoped3A : memref<!tpu.dma_semaphore, #tpu.memory_space<semaphore_mem>>) src(%dma_wait3A_80 : memref<624x128xf32, #tpu.memory_space<vmem_shared>>) dst(%dma_wait3A_78 : memref<624x128xf32, #tpu.memory_space<hbm>>)
      tpu.yield
    }) : () -> ()
    %eq3A = arith.constant 0 : i32
    %eq3A_71 = arith.cmpi eq, %arg1, %eq3A : i32
    %convert_element_type3A = arith.extui %eq3A_71 : i1 to i32
    %cond3A = arith.constant 0 : i32
    %cond3A_72 = arith.cmpi ne, %convert_element_type3A, %cond3A : i32
    scf.if %cond3A_72 {
      %mul3A_73 = arith.constant 10000 : i32
      %mul3A_74 = arith.muli %arg0, %mul3A_73 : i32
      %add3A_75 = arith.constant 9984 : i32
      %add3A_76 = arith.addi %mul3A_74, %add3A_75 : i32
      "tpu.region"() ({
        %run_scoped3A = tpu.sem_alloc : memref<!tpu.dma_semaphore, #tpu.memory_space<semaphore_mem>>
        %dma_start3A_77 = arith.constant 0 : i32
        %dma_start3A_78 = tpu.memref_slice %arg5[%add3A_76, %dma_start3A_77] : memref<20000x128xf32, #tpu.memory_space<hbm>> -> memref<16x128xf32, #tpu.memory_space<hbm>>
        %dma_start3A_79 = arith.constant 9984 : i32
        %dma_start3A_80 = arith.constant 0 : i32
        %dma_start3A_81 = tpu.memref_slice %arg10[%dma_start3A_79, %dma_start3A_80] : memref<10000x128xf32, #tpu.memory_space<vmem_shared>> -> memref<16x128xf32, #tpu.memory_space<vmem_shared>>
        tpu.enqueue_dma source(%dma_start3A_81 : memref<16x128xf32, #tpu.memory_space<vmem_shared>>) target(%dma_start3A_78 : memref<16x128xf32, #tpu.memory_space<hbm>>) target_semaphore(%run_scoped3A : memref<!tpu.dma_semaphore, #tpu.memory_space<semaphore_mem>>)
        %dma_wait3A_82 = arith.constant 0 : i32
        %dma_wait3A_83 = tpu.memref_slice %arg5[%add3A_76, %dma_wait3A_82] : memref<20000x128xf32, #tpu.memory_space<hbm>> -> memref<16x128xf32, #tpu.memory_space<hbm>>
        %dma_wait3A_84 = arith.constant 9984 : i32
        %dma_wait3A_85 = arith.constant 0 : i32
        %dma_wait3A_86 = tpu.memref_slice %arg10[%dma_wait3A_84, %dma_wait3A_85] : memref<10000x128xf32, #tpu.memory_space<vmem_shared>> -> memref<16x128xf32, #tpu.memory_space<vmem_shared>>
        tpu.wait_dma2 semaphore(%run_scoped3A : memref<!tpu.dma_semaphore, #tpu.memory_space<semaphore_mem>>) src(%dma_wait3A_86 : memref<16x128xf32, #tpu.memory_space<vmem_shared>>) dst(%dma_wait3A_83 : memref<16x128xf32, #tpu.memory_space<hbm>>)
        tpu.yield
      }) : () -> ()
    } else {
    }
    return
  }
}

#map = affine_map<(d0, d1) -> (0, 0)>
module attributes {stable_mosaic.version = 14 : i64} {
  func.func @_deg(%arg0: i32, %arg1: i32, %arg2: memref<2560x125xi32, #tpu.memory_space<hbm>>, %arg3: memref<2560x125xi32, #tpu.memory_space<hbm>>, %arg4: memref<4x10000xf32, #tpu.memory_space<hbm>>, %arg5: memref<80x125xi32, #tpu.memory_space<vmem>>, %arg6: memref<80x125xi32, #tpu.memory_space<vmem>>, %arg7: memref<128xf32, #tpu.memory_space<vmem>>, %arg8: memref<10000xf32, #tpu.memory_space<vmem>>, %arg9: memref<10000xf32, #tpu.memory_space<vmem_shared>>, %arg10: memref<10000xf32, #tpu.memory_space<vmem_shared>>) attributes {dimension_semantics = [#tpu.dimension_semantics<core_parallel>, #tpu.dimension_semantics<subcore_parallel>], iteration_bounds = array<i64: 2, 16>, scalar_prefetch = 0 : i64, scratch_operands = 6 : i64, tpu.core_type = #tpu.core_type<sc_vector_subcore>, window_params = [{transform_indices = #map}, {transform_indices = #map}, {transform_indices = #map}]} {
    %mul3A = arith.constant 2 : i32
    %mul3A_0 = arith.muli %arg1, %mul3A : i32
    %add3A = arith.addi %mul3A_0, %arg0 : i32
    %broadcast_in_dim3A = arith.constant 1.000000e+00 : f32
    %broadcast_in_dim3A_1 = vector.broadcast %broadcast_in_dim3A : f32 to vector<16xf32>
    %broadcast_in_dim3A_2 = arith.constant 0.000000e+00 : f32
    %broadcast_in_dim3A_3 = vector.broadcast %broadcast_in_dim3A_2 : f32 to vector<16xf32>
    %swap3A = arith.constant 0 : index
    %swap3A_4 = tpu.vector_load %arg7[%swap3A] {strides = array<i32>} : memref<128xf32, #tpu.memory_space<vmem>>, vector<16xf32>,
    %swap3A_5 = vector.shape_cast %swap3A_4 : vector<16xf32> to vector<16xf32>
    %swap3A_6 = vector.shape_cast %broadcast_in_dim3A_1 : vector<16xf32> to vector<16xf32>
    tpu.vector_store %arg7[%swap3A], %swap3A_6 {strides = array<i32>} : memref<128xf32, #tpu.memory_space<vmem>>, vector<16xf32>,
    %swap3A_7 = arith.constant 16 : index
    %swap3A_8 = tpu.vector_load %arg7[%swap3A_7] {strides = array<i32>} : memref<128xf32, #tpu.memory_space<vmem>>, vector<16xf32>,
    %swap3A_9 = vector.shape_cast %swap3A_8 : vector<16xf32> to vector<16xf32>
    %swap3A_10 = vector.shape_cast %broadcast_in_dim3A_1 : vector<16xf32> to vector<16xf32>
    tpu.vector_store %arg7[%swap3A_7], %swap3A_10 {strides = array<i32>} : memref<128xf32, #tpu.memory_space<vmem>>, vector<16xf32>,
    %swap3A_11 = arith.constant 32 : index
    %swap3A_12 = tpu.vector_load %arg7[%swap3A_11] {strides = array<i32>} : memref<128xf32, #tpu.memory_space<vmem>>, vector<16xf32>,
    %swap3A_13 = vector.shape_cast %swap3A_12 : vector<16xf32> to vector<16xf32>
    %swap3A_14 = vector.shape_cast %broadcast_in_dim3A_1 : vector<16xf32> to vector<16xf32>
    tpu.vector_store %arg7[%swap3A_11], %swap3A_14 {strides = array<i32>} : memref<128xf32, #tpu.memory_space<vmem>>, vector<16xf32>,
    %swap3A_15 = arith.constant 48 : index
    %swap3A_16 = tpu.vector_load %arg7[%swap3A_15] {strides = array<i32>} : memref<128xf32, #tpu.memory_space<vmem>>, vector<16xf32>,
    %swap3A_17 = vector.shape_cast %swap3A_16 : vector<16xf32> to vector<16xf32>
    %swap3A_18 = vector.shape_cast %broadcast_in_dim3A_1 : vector<16xf32> to vector<16xf32>
    tpu.vector_store %arg7[%swap3A_15], %swap3A_18 {strides = array<i32>} : memref<128xf32, #tpu.memory_space<vmem>>, vector<16xf32>,
    %swap3A_19 = arith.constant 64 : index
    %swap3A_20 = tpu.vector_load %arg7[%swap3A_19] {strides = array<i32>} : memref<128xf32, #tpu.memory_space<vmem>>, vector<16xf32>,
    %swap3A_21 = vector.shape_cast %swap3A_20 : vector<16xf32> to vector<16xf32>
    %swap3A_22 = vector.shape_cast %broadcast_in_dim3A_1 : vector<16xf32> to vector<16xf32>
    tpu.vector_store %arg7[%swap3A_19], %swap3A_22 {strides = array<i32>} : memref<128xf32, #tpu.memory_space<vmem>>, vector<16xf32>,
    %swap3A_23 = arith.constant 80 : index
    %swap3A_24 = tpu.vector_load %arg7[%swap3A_23] {strides = array<i32>} : memref<128xf32, #tpu.memory_space<vmem>>, vector<16xf32>,
    %swap3A_25 = vector.shape_cast %swap3A_24 : vector<16xf32> to vector<16xf32>
    %swap3A_26 = vector.shape_cast %broadcast_in_dim3A_1 : vector<16xf32> to vector<16xf32>
    tpu.vector_store %arg7[%swap3A_23], %swap3A_26 {strides = array<i32>} : memref<128xf32, #tpu.memory_space<vmem>>, vector<16xf32>,
    %swap3A_27 = arith.constant 96 : index
    %swap3A_28 = tpu.vector_load %arg7[%swap3A_27] {strides = array<i32>} : memref<128xf32, #tpu.memory_space<vmem>>, vector<16xf32>,
    %swap3A_29 = vector.shape_cast %swap3A_28 : vector<16xf32> to vector<16xf32>
    %swap3A_30 = vector.shape_cast %broadcast_in_dim3A_1 : vector<16xf32> to vector<16xf32>
    tpu.vector_store %arg7[%swap3A_27], %swap3A_30 {strides = array<i32>} : memref<128xf32, #tpu.memory_space<vmem>>, vector<16xf32>,
    %swap3A_31 = arith.constant 112 : index
    %swap3A_32 = tpu.vector_load %arg7[%swap3A_31] {strides = array<i32>} : memref<128xf32, #tpu.memory_space<vmem>>, vector<16xf32>,
    %swap3A_33 = vector.shape_cast %swap3A_32 : vector<16xf32> to vector<16xf32>
    %swap3A_34 = vector.shape_cast %broadcast_in_dim3A_1 : vector<16xf32> to vector<16xf32>
    tpu.vector_store %arg7[%swap3A_31], %swap3A_34 {strides = array<i32>} : memref<128xf32, #tpu.memory_space<vmem>>, vector<16xf32>,
    %scan3A = arith.constant 0 : i32
    %scan3A_35 = arith.constant 0 : i32
    %scan3A_36 = arith.constant 625 : i32
    %scan3A_37 = arith.addi %scan3A_35, %scan3A_36 : i32
    %scan3A_38 = arith.constant 1 : i32
    scf.for %scan3A_58 = %scan3A_35 to %scan3A_37 step %scan3A_38  : i32 {
      %mul3A_59 = arith.constant 16 : i32
      %mul3A_60 = arith.muli %scan3A_58, %mul3A_59 : i32
      %swap3A_61 = arith.index_cast %mul3A_60 : i32 to index
      %swap3A_62 = tpu.vector_load %arg8[%swap3A_61] {strides = array<i32>} : memref<10000xf32, #tpu.memory_space<vmem>>, vector<16xf32>,
      %swap3A_63 = vector.shape_cast %swap3A_62 : vector<16xf32> to vector<16xf32>
      %swap3A_64 = vector.shape_cast %broadcast_in_dim3A_3 : vector<16xf32> to vector<16xf32>
      tpu.vector_store %arg8[%swap3A_61], %swap3A_64 {strides = array<i32>} : memref<10000xf32, #tpu.memory_space<vmem>>, vector<16xf32>,
    }
    %scan3A_39 = arith.constant 625 : i32
    %eq3A = arith.constant 0 : i32
    %eq3A_40 = arith.cmpi eq, %arg1, %eq3A : i32
    %convert_element_type3A = arith.extui %eq3A_40 : i1 to i32
    %cond3A = arith.constant 0 : i32
    %cond3A_41 = arith.cmpi ne, %convert_element_type3A, %cond3A : i32
    scf.if %cond3A_41 {
      "tpu.region"() ({
        %run_scoped3A = tpu.sem_alloc : memref<!tpu.dma_semaphore, #tpu.memory_space<semaphore_mem>>
        tpu.enqueue_dma source(%arg8 : memref<10000xf32, #tpu.memory_space<vmem>>) target(%arg9 : memref<10000xf32, #tpu.memory_space<vmem_shared>>) target_semaphore(%run_scoped3A : memref<!tpu.dma_semaphore, #tpu.memory_space<semaphore_mem>>)
        tpu.wait_dma2 semaphore(%run_scoped3A : memref<!tpu.dma_semaphore, #tpu.memory_space<semaphore_mem>>) src(%arg8 : memref<10000xf32, #tpu.memory_space<vmem>>) dst(%arg9 : memref<10000xf32, #tpu.memory_space<vmem_shared>>)
        tpu.yield
      }) : () -> ()
      "tpu.region"() ({
        %run_scoped3A = tpu.sem_alloc : memref<!tpu.dma_semaphore, #tpu.memory_space<semaphore_mem>>
        tpu.enqueue_dma source(%arg8 : memref<10000xf32, #tpu.memory_space<vmem>>) target(%arg10 : memref<10000xf32, #tpu.memory_space<vmem_shared>>) target_semaphore(%run_scoped3A : memref<!tpu.dma_semaphore, #tpu.memory_space<semaphore_mem>>)
        tpu.wait_dma2 semaphore(%run_scoped3A : memref<!tpu.dma_semaphore, #tpu.memory_space<semaphore_mem>>) src(%arg8 : memref<10000xf32, #tpu.memory_space<vmem>>) dst(%arg10 : memref<10000xf32, #tpu.memory_space<vmem_shared>>)
        tpu.yield
      }) : () -> ()
    } else {
    }
    %barrier3A = arith.constant 0 : index
    tpu.barrier barrier_id(%barrier3A)
    %mul3A_42 = arith.constant 80 : i32
    %mul3A_43 = arith.muli %add3A, %mul3A_42 : i32
    "tpu.region"() ({
      %run_scoped3A = tpu.sem_alloc : memref<!tpu.dma_semaphore, #tpu.memory_space<semaphore_mem>>
      %dma_start3A = arith.constant 0 : i32
      %dma_start3A_58 = tpu.memref_slice %arg2[%mul3A_43, %dma_start3A] : memref<2560x125xi32, #tpu.memory_space<hbm>> -> memref<80x125xi32, #tpu.memory_space<hbm>>
      %dma_start3A_59 = arith.constant 0 : i32
      %dma_start3A_60 = tpu.memref_slice %arg2[%mul3A_43, %dma_start3A_59] : memref<2560x125xi32, #tpu.memory_space<hbm>> -> memref<80x125xi32, #tpu.memory_space<hbm>>
      tpu.enqueue_dma source(%dma_start3A_60 : memref<80x125xi32, #tpu.memory_space<hbm>>) target(%arg5 : memref<80x125xi32, #tpu.memory_space<vmem>>) target_semaphore(%run_scoped3A : memref<!tpu.dma_semaphore, #tpu.memory_space<semaphore_mem>>)
      %dma_wait3A = arith.constant 0 : i32
      %dma_wait3A_61 = tpu.memref_slice %arg2[%mul3A_43, %dma_wait3A] : memref<2560x125xi32, #tpu.memory_space<hbm>> -> memref<80x125xi32, #tpu.memory_space<hbm>>
      %dma_wait3A_62 = arith.constant 0 : i32
      %dma_wait3A_63 = tpu.memref_slice %arg2[%mul3A_43, %dma_wait3A_62] : memref<2560x125xi32, #tpu.memory_space<hbm>> -> memref<80x125xi32, #tpu.memory_space<hbm>>
      tpu.wait_dma2 semaphore(%run_scoped3A : memref<!tpu.dma_semaphore, #tpu.memory_space<semaphore_mem>>) src(%dma_wait3A_63 : memref<80x125xi32, #tpu.memory_space<hbm>>) dst(%arg5 : memref<80x125xi32, #tpu.memory_space<vmem>>)
      tpu.yield
    }) : () -> ()
    %mul3A_44 = arith.constant 80 : i32
    %mul3A_45 = arith.muli %add3A, %mul3A_44 : i32
    "tpu.region"() ({
      %run_scoped3A = tpu.sem_alloc : memref<!tpu.dma_semaphore, #tpu.memory_space<semaphore_mem>>
      %dma_start3A = arith.constant 0 : i32
      %dma_start3A_58 = tpu.memref_slice %arg3[%mul3A_45, %dma_start3A] : memref<2560x125xi32, #tpu.memory_space<hbm>> -> memref<80x125xi32, #tpu.memory_space<hbm>>
      %dma_start3A_59 = arith.constant 0 : i32
      %dma_start3A_60 = tpu.memref_slice %arg3[%mul3A_45, %dma_start3A_59] : memref<2560x125xi32, #tpu.memory_space<hbm>> -> memref<80x125xi32, #tpu.memory_space<hbm>>
      tpu.enqueue_dma source(%dma_start3A_60 : memref<80x125xi32, #tpu.memory_space<hbm>>) target(%arg6 : memref<80x125xi32, #tpu.memory_space<vmem>>) target_semaphore(%run_scoped3A : memref<!tpu.dma_semaphore, #tpu.memory_space<semaphore_mem>>)
      %dma_wait3A = arith.constant 0 : i32
      %dma_wait3A_61 = tpu.memref_slice %arg3[%mul3A_45, %dma_wait3A] : memref<2560x125xi32, #tpu.memory_space<hbm>> -> memref<80x125xi32, #tpu.memory_space<hbm>>
      %dma_wait3A_62 = arith.constant 0 : i32
      %dma_wait3A_63 = tpu.memref_slice %arg3[%mul3A_45, %dma_wait3A_62] : memref<2560x125xi32, #tpu.memory_space<hbm>> -> memref<80x125xi32, #tpu.memory_space<hbm>>
      tpu.wait_dma2 semaphore(%run_scoped3A : memref<!tpu.dma_semaphore, #tpu.memory_space<semaphore_mem>>) src(%dma_wait3A_63 : memref<80x125xi32, #tpu.memory_space<hbm>>) dst(%arg6 : memref<80x125xi32, #tpu.memory_space<vmem>>)
      tpu.yield
    }) : () -> ()
    %scan3A_46 = arith.constant 0 : i32
    %scan3A_47 = arith.constant 0 : i32
    %scan3A_48 = arith.constant 80 : i32
    %scan3A_49 = arith.addi %scan3A_47, %scan3A_48 : i32
    %scan3A_50 = arith.constant 1 : i32
    scf.for %scan3A_58 = %scan3A_47 to %scan3A_49 step %scan3A_50  : i32 {
      "tpu.region"() ({
        %run_scoped3A = tpu.sem_alloc : memref<!tpu.dma_semaphore, #tpu.memory_space<semaphore_mem>>
        %dma_start3A = arith.constant 0 : i32
        %dma_start3A_59 = tpu.memref_slice %arg7[%dma_start3A] : memref<128xf32, #tpu.memory_space<vmem>> -> memref<125xf32, #tpu.memory_space<vmem>>
        %dma_start3A_60 = arith.constant 0 : i32
        %dma_start3A_61 = tpu.memref_slice %arg5[%scan3A_58, %dma_start3A_60] : memref<80x125xi32, #tpu.memory_space<vmem>> -> memref<1x125xi32, #tpu.memory_space<vmem>>
        %dma_start3A_62 = tpu.memref_squeeze %dma_start3A_61 : memref<1x125xi32, #tpu.memory_space<vmem>> -> memref<125xi32, #tpu.memory_space<vmem>>
        %dma_start3A_63 = arith.constant 0 : i32
        %dma_start3A_64 = tpu.memref_slice %arg9[%dma_start3A_63] : memref<10000xf32, #tpu.memory_space<vmem_shared>> -> memref<10000xf32, #tpu.memory_space<vmem_shared>>
        tpu.enqueue_indirect_dma source(%dma_start3A_59 : memref<125xf32, #tpu.memory_space<vmem>>) target(%dma_start3A_64 : memref<10000xf32, #tpu.memory_space<vmem_shared>>) offsets(%dma_start3A_62 : memref<125xi32, #tpu.memory_space<vmem>>) semaphore(%run_scoped3A : memref<!tpu.dma_semaphore, #tpu.memory_space<semaphore_mem>>) {add = true}
        %dma_wait3A = arith.constant 0 : i32
        %dma_wait3A_65 = tpu.memref_slice %arg7[%dma_wait3A] : memref<128xf32, #tpu.memory_space<vmem>> -> memref<125xf32, #tpu.memory_space<vmem>>
        %dma_wait3A_66 = arith.constant 0 : i32
        %dma_wait3A_67 = tpu.memref_slice %arg5[%scan3A_58, %dma_wait3A_66] : memref<80x125xi32, #tpu.memory_space<vmem>> -> memref<1x125xi32, #tpu.memory_space<vmem>>
        %dma_wait3A_68 = tpu.memref_squeeze %dma_wait3A_67 : memref<1x125xi32, #tpu.memory_space<vmem>> -> memref<125xi32, #tpu.memory_space<vmem>>
        %dma_wait3A_69 = arith.constant 0 : i32
        %dma_wait3A_70 = tpu.memref_slice %arg9[%dma_wait3A_69] : memref<10000xf32, #tpu.memory_space<vmem_shared>> -> memref<10000xf32, #tpu.memory_space<vmem_shared>>
        tpu.wait_indirect_dma semaphore(%run_scoped3A : memref<!tpu.dma_semaphore, #tpu.memory_space<semaphore_mem>>) src(%dma_wait3A_65 : memref<125xf32, #tpu.memory_space<vmem>>) dst(%dma_wait3A_70 : memref<10000xf32, #tpu.memory_space<vmem_shared>>)
        tpu.yield
      }) : () -> ()
      "tpu.region"() ({
        %run_scoped3A = tpu.sem_alloc : memref<!tpu.dma_semaphore, #tpu.memory_space<semaphore_mem>>
        %dma_start3A = arith.constant 0 : i32
        %dma_start3A_59 = tpu.memref_slice %arg7[%dma_start3A] : memref<128xf32, #tpu.memory_space<vmem>> -> memref<125xf32, #tpu.memory_space<vmem>>
        %dma_start3A_60 = arith.constant 0 : i32
        %dma_start3A_61 = tpu.memref_slice %arg6[%scan3A_58, %dma_start3A_60] : memref<80x125xi32, #tpu.memory_space<vmem>> -> memref<1x125xi32, #tpu.memory_space<vmem>>
        %dma_start3A_62 = tpu.memref_squeeze %dma_start3A_61 : memref<1x125xi32, #tpu.memory_space<vmem>> -> memref<125xi32, #tpu.memory_space<vmem>>
        %dma_start3A_63 = arith.constant 0 : i32
        %dma_start3A_64 = tpu.memref_slice %arg10[%dma_start3A_63] : memref<10000xf32, #tpu.memory_space<vmem_shared>> -> memref<10000xf32, #tpu.memory_space<vmem_shared>>
        tpu.enqueue_indirect_dma source(%dma_start3A_59 : memref<125xf32, #tpu.memory_space<vmem>>) target(%dma_start3A_64 : memref<10000xf32, #tpu.memory_space<vmem_shared>>) offsets(%dma_start3A_62 : memref<125xi32, #tpu.memory_space<vmem>>) semaphore(%run_scoped3A : memref<!tpu.dma_semaphore, #tpu.memory_space<semaphore_mem>>) {add = true}
        %dma_wait3A = arith.constant 0 : i32
        %dma_wait3A_65 = tpu.memref_slice %arg7[%dma_wait3A] : memref<128xf32, #tpu.memory_space<vmem>> -> memref<125xf32, #tpu.memory_space<vmem>>
        %dma_wait3A_66 = arith.constant 0 : i32
        %dma_wait3A_67 = tpu.memref_slice %arg6[%scan3A_58, %dma_wait3A_66] : memref<80x125xi32, #tpu.memory_space<vmem>> -> memref<1x125xi32, #tpu.memory_space<vmem>>
        %dma_wait3A_68 = tpu.memref_squeeze %dma_wait3A_67 : memref<1x125xi32, #tpu.memory_space<vmem>> -> memref<125xi32, #tpu.memory_space<vmem>>
        %dma_wait3A_69 = arith.constant 0 : i32
        %dma_wait3A_70 = tpu.memref_slice %arg10[%dma_wait3A_69] : memref<10000xf32, #tpu.memory_space<vmem_shared>> -> memref<10000xf32, #tpu.memory_space<vmem_shared>>
        tpu.wait_indirect_dma semaphore(%run_scoped3A : memref<!tpu.dma_semaphore, #tpu.memory_space<semaphore_mem>>) src(%dma_wait3A_65 : memref<125xf32, #tpu.memory_space<vmem>>) dst(%dma_wait3A_70 : memref<10000xf32, #tpu.memory_space<vmem_shared>>)
        tpu.yield
      }) : () -> ()
    }
    %scan3A_51 = arith.constant 80 : i32
    %barrier3A_52 = arith.constant 0 : index
    tpu.barrier barrier_id(%barrier3A_52)
    %eq3A_53 = arith.constant 0 : i32
    %eq3A_54 = arith.cmpi eq, %arg1, %eq3A_53 : i32
    %convert_element_type3A_55 = arith.extui %eq3A_54 : i1 to i32
    %cond3A_56 = arith.constant 0 : i32
    %cond3A_57 = arith.cmpi ne, %convert_element_type3A_55, %cond3A_56 : i32
    scf.if %cond3A_57 {
      %mul3A_58 = arith.constant 2 : i32
      %mul3A_59 = arith.muli %mul3A_58, %arg0 : i32
      "tpu.region"() ({
        %run_scoped3A = tpu.sem_alloc : memref<!tpu.dma_semaphore, #tpu.memory_space<semaphore_mem>>
        %dma_start3A = arith.constant 0 : i32
        %dma_start3A_64 = tpu.memref_slice %arg4[%mul3A_59, %dma_start3A] : memref<4x10000xf32, #tpu.memory_space<hbm>> -> memref<1x10000xf32, #tpu.memory_space<hbm>>
        %dma_start3A_65 = tpu.memref_squeeze %dma_start3A_64 : memref<1x10000xf32, #tpu.memory_space<hbm>> -> memref<10000xf32, #tpu.memory_space<hbm>>
        tpu.enqueue_dma source(%arg9 : memref<10000xf32, #tpu.memory_space<vmem_shared>>) target(%dma_start3A_65 : memref<10000xf32, #tpu.memory_space<hbm>>) target_semaphore(%run_scoped3A : memref<!tpu.dma_semaphore, #tpu.memory_space<semaphore_mem>>)
        %dma_wait3A = arith.constant 0 : i32
        %dma_wait3A_66 = tpu.memref_slice %arg4[%mul3A_59, %dma_wait3A] : memref<4x10000xf32, #tpu.memory_space<hbm>> -> memref<1x10000xf32, #tpu.memory_space<hbm>>
        %dma_wait3A_67 = tpu.memref_squeeze %dma_wait3A_66 : memref<1x10000xf32, #tpu.memory_space<hbm>> -> memref<10000xf32, #tpu.memory_space<hbm>>
        tpu.wait_dma2 semaphore(%run_scoped3A : memref<!tpu.dma_semaphore, #tpu.memory_space<semaphore_mem>>) src(%arg9 : memref<10000xf32, #tpu.memory_space<vmem_shared>>) dst(%dma_wait3A_67 : memref<10000xf32, #tpu.memory_space<hbm>>)
        tpu.yield
      }) : () -> ()
      %mul3A_60 = arith.constant 2 : i32
      %mul3A_61 = arith.muli %mul3A_60, %arg0 : i32
      %add3A_62 = arith.constant 1 : i32
      %add3A_63 = arith.addi %mul3A_61, %add3A_62 : i32
      "tpu.region"() ({
        %run_scoped3A = tpu.sem_alloc : memref<!tpu.dma_semaphore, #tpu.memory_space<semaphore_mem>>
        %dma_start3A = arith.constant 0 : i32
        %dma_start3A_64 = tpu.memref_slice %arg4[%add3A_63, %dma_start3A] : memref<4x10000xf32, #tpu.memory_space<hbm>> -> memref<1x10000xf32, #tpu.memory_space<hbm>>
        %dma_start3A_65 = tpu.memref_squeeze %dma_start3A_64 : memref<1x10000xf32, #tpu.memory_space<hbm>> -> memref<10000xf32, #tpu.memory_space<hbm>>
        tpu.enqueue_dma source(%arg10 : memref<10000xf32, #tpu.memory_space<vmem_shared>>) target(%dma_start3A_65 : memref<10000xf32, #tpu.memory_space<hbm>>) target_semaphore(%run_scoped3A : memref<!tpu.dma_semaphore, #tpu.memory_space<semaphore_mem>>)
        %dma_wait3A = arith.constant 0 : i32
        %dma_wait3A_66 = tpu.memref_slice %arg4[%add3A_63, %dma_wait3A] : memref<4x10000xf32, #tpu.memory_space<hbm>> -> memref<1x10000xf32, #tpu.memory_space<hbm>>
        %dma_wait3A_67 = tpu.memref_squeeze %dma_wait3A_66 : memref<1x10000xf32, #tpu.memory_space<hbm>> -> memref<10000xf32, #tpu.memory_space<hbm>>
        tpu.wait_dma2 semaphore(%run_scoped3A : memref<!tpu.dma_semaphore, #tpu.memory_space<semaphore_mem>>) src(%arg10 : memref<10000xf32, #tpu.memory_space<vmem_shared>>) dst(%dma_wait3A_67 : memref<10000xf32, #tpu.memory_space<hbm>>)
        tpu.yield
      }) : () -> ()
    } else {
    }
    return
  }
}

module attributes {stable_mosaic.version = 14 : i64} {
  func.func @_mlp_body(%arg0: i32, %arg1: memref<1000x128xf32, #tpu.memory_space<vmem>>, %arg2: memref<1000x4xf32, #tpu.memory_space<vmem>>, %arg3: memref<128x128xf32, #tpu.memory_space<vmem>>, %arg4: memref<1x128xf32, #tpu.memory_space<vmem>>, %arg5: memref<1x128xf32, #tpu.memory_space<vmem>>, %arg6: memref<1x128xf32, #tpu.memory_space<vmem>>, %arg7: memref<1x128xf32, #tpu.memory_space<vmem>>, %arg8: memref<1x128xf32, #tpu.memory_space<vmem>>, %arg9: memref<128x128xf32, #tpu.memory_space<vmem>>, %arg10: memref<1x128xf32, #tpu.memory_space<vmem>>, %arg11: memref<128x128xf32, #tpu.memory_space<vmem>>, %arg12: memref<1000x128xf32, #tpu.memory_space<vmem>>) attributes {dimension_semantics = [#tpu.dimension_semantics<arbitrary>], iteration_bounds = array<i64: 10>, scalar_prefetch = 0 : i64, scratch_operands = 0 : i64, tpu.core_type = #tpu.core_type<tc>, window_params = [{transform_indices = @transform_0, window_bounds = array<i64: 1000, 128>}, {transform_indices = @transform_1, window_bounds = array<i64: 1000, 4>}, {pipeline_mode = #tpu.pipeline_mode<synchronous>, transform_indices = @transform_2, window_bounds = array<i64: 128, 128>}, {pipeline_mode = #tpu.pipeline_mode<synchronous>, transform_indices = @transform_3, window_bounds = array<i64: 1, 128>}, {pipeline_mode = #tpu.pipeline_mode<synchronous>, transform_indices = @transform_4, window_bounds = array<i64: 1, 128>}, {pipeline_mode = #tpu.pipeline_mode<synchronous>, transform_indices = @transform_5, window_bounds = array<i64: 1, 128>}, {pipeline_mode = #tpu.pipeline_mode<synchronous>, transform_indices = @transform_6, window_bounds = array<i64: 1, 128>}, {pipeline_mode = #tpu.pipeline_mode<synchronous>, transform_indices = @transform_7, window_bounds = array<i64: 1, 128>}, {pipeline_mode = #tpu.pipeline_mode<synchronous>, transform_indices = @transform_8, window_bounds = array<i64: 128, 128>}, {pipeline_mode = #tpu.pipeline_mode<synchronous>, transform_indices = @transform_9, window_bounds = array<i64: 1, 128>}, {pipeline_mode = #tpu.pipeline_mode<synchronous>, transform_indices = @transform_10, window_bounds = array<i64: 128, 128>}, {transform_indices = @transform_11, window_bounds = array<i64: 1000, 128>}]} {
    %get3A = arith.constant 0 : index
    %get3A_0 = arith.constant 0 : index
    %get3A_1 = vector.load %arg1[%get3A, %get3A_0] : memref<1000x128xf32, #tpu.memory_space<vmem>>, vector<1000x128xf32>
    %get3A_2 = arith.constant 0 : index
    %get3A_3 = arith.constant 0 : index
    %get3A_4 = vector.load %arg3[%get3A_2, %get3A_3] : memref<128x128xf32, #tpu.memory_space<vmem>>, vector<128x128xf32>
    %dot_general3A = arith.constant dense<0.000000e+00> : vector<1000x128xf32>
    %dot_general3A_5 = tpu.matmul %get3A_1, %get3A_4, %dot_general3A {dimension_numbers = #tpu.dot_dimension_numbers<[1], [0], [0], [1], [0, 0, 1, 1], [], []>, transpose_lhs_hint = false} : vector<1000x128xf32>, vector<128x128xf32>, vector<1000x128xf32> -> vector<1000x128xf32>
    %get3A_6 = arith.constant 0 : index
    %get3A_7 = arith.constant 0 : index
    %get3A_8 = vector.load %arg4[%get3A_6, %get3A_7] : memref<1x128xf32, #tpu.memory_space<vmem>>, vector<1x128xf32>
    %add3A = vector.broadcast %get3A_8 : vector<1x128xf32> to vector<1000x128xf32>
    %add3A_9 = arith.addf %dot_general3A_5, %add3A : vector<1000x128xf32>
    %get3A_10 = arith.constant 0 : index
    %get3A_11 = arith.constant 0 : index
    %get3A_12 = vector.load %arg7[%get3A_10, %get3A_11] : memref<1x128xf32, #tpu.memory_space<vmem>>, vector<1x128xf32>
    %sub3A = vector.broadcast %get3A_12 : vector<1x128xf32> to vector<1000x128xf32>
    %sub3A_13 = arith.subf %add3A_9, %sub3A : vector<1000x128xf32>
    %get3A_14 = arith.constant 0 : index
    %get3A_15 = arith.constant 0 : index
    %get3A_16 = vector.load %arg5[%get3A_14, %get3A_15] : memref<1x128xf32, #tpu.memory_space<vmem>>, vector<1x128xf32>
    %get3A_17 = arith.constant 0 : index
    %get3A_18 = arith.constant 0 : index
    %get3A_19 = vector.load %arg8[%get3A_17, %get3A_18] : memref<1x128xf32, #tpu.memory_space<vmem>>, vector<1x128xf32>
    %add3A_20 = arith.constant 9.99999974E-6 : f32
    %add3A_21 = vector.broadcast %add3A_20 : f32 to vector<1x128xf32>
    %add3A_22 = arith.addf %get3A_19, %add3A_21 : vector<1x128xf32>
    %rsqrt3A = math.rsqrt %add3A_22 : vector<1x128xf32>
    %mul3A = arith.mulf %get3A_16, %rsqrt3A : vector<1x128xf32>
    %mul3A_23 = vector.broadcast %mul3A : vector<1x128xf32> to vector<1000x128xf32>
    %mul3A_24 = arith.mulf %sub3A_13, %mul3A_23 : vector<1000x128xf32>
    %get3A_25 = arith.constant 0 : index
    %get3A_26 = arith.constant 0 : index
    %get3A_27 = vector.load %arg6[%get3A_25, %get3A_26] : memref<1x128xf32, #tpu.memory_space<vmem>>, vector<1x128xf32>
    %add3A_28 = vector.broadcast %get3A_27 : vector<1x128xf32> to vector<1000x128xf32>
    %add3A_29 = arith.addf %mul3A_24, %add3A_28 : vector<1000x128xf32>
    %max3A = arith.constant 0.000000e+00 : f32
    %max3A_30 = vector.broadcast %max3A : f32 to vector<1000x128xf32>
    %max3A_31 = arith.maximumf %add3A_29, %max3A_30 : vector<1000x128xf32>
    %get3A_32 = arith.constant 0 : index
    %get3A_33 = arith.constant 0 : index
    %get3A_34 = vector.load %arg9[%get3A_32, %get3A_33] : memref<128x128xf32, #tpu.memory_space<vmem>>, vector<128x128xf32>
    %dot_general3A_35 = arith.constant dense<0.000000e+00> : vector<1000x128xf32>
    %dot_general3A_36 = tpu.matmul %max3A_31, %get3A_34, %dot_general3A_35 {dimension_numbers = #tpu.dot_dimension_numbers<[1], [0], [0], [1], [0, 0, 1, 1], [], []>, transpose_lhs_hint = false} : vector<1000x128xf32>, vector<128x128xf32>, vector<1000x128xf32> -> vector<1000x128xf32>
    %get3A_37 = arith.constant 0 : index
    %get3A_38 = arith.constant 0 : index
    %get3A_39 = vector.load %arg10[%get3A_37, %get3A_38] : memref<1x128xf32, #tpu.memory_space<vmem>>, vector<1x128xf32>
    %add3A_40 = vector.broadcast %get3A_39 : vector<1x128xf32> to vector<1000x128xf32>
    %add3A_41 = arith.addf %dot_general3A_36, %add3A_40 : vector<1000x128xf32>
    %get3A_42 = arith.constant 0 : index
    %get3A_43 = arith.constant 0 : index
    %get3A_44 = vector.load %arg2[%get3A_42, %get3A_43] : memref<1000x4xf32, #tpu.memory_space<vmem>>, vector<1000x4xf32>
    %slice3A = vector.extract_strided_slice %get3A_44 {offsets = [0, 0], sizes = [1000, 1], strides = [1, 1]} : vector<1000x4xf32> to vector<1000x1xf32>
    %slice3A_45 = vector.extract_strided_slice %get3A_44 {offsets = [0, 2], sizes = [1000, 1], strides = [1, 1]} : vector<1000x4xf32> to vector<1000x1xf32>
    %add3A_46 = arith.addf %slice3A, %slice3A_45 : vector<1000x1xf32>
    %max3A_47 = arith.constant 1.000000e+00 : f32
    %max3A_48 = vector.broadcast %max3A_47 : f32 to vector<1000x1xf32>
    %max3A_49 = arith.maximumf %add3A_46, %max3A_48 : vector<1000x1xf32>
    %rsqrt3A_50 = math.rsqrt %max3A_49 : vector<1000x1xf32>
    %mul3A_51 = vector.broadcast %rsqrt3A_50 : vector<1000x1xf32> to vector<1000x128xf32>
    %mul3A_52 = arith.mulf %add3A_41, %mul3A_51 : vector<1000x128xf32>
    %get3A_53 = arith.constant 0 : index
    %get3A_54 = arith.constant 0 : index
    %get3A_55 = vector.load %arg11[%get3A_53, %get3A_54] : memref<128x128xf32, #tpu.memory_space<vmem>>, vector<128x128xf32>
    %dot_general3A_56 = arith.constant dense<0.000000e+00> : vector<1000x128xf32>
    %dot_general3A_57 = tpu.matmul %mul3A_52, %get3A_55, %dot_general3A_56 {dimension_numbers = #tpu.dot_dimension_numbers<[1], [0], [0], [1], [0, 0, 1, 1], [], []>, transpose_lhs_hint = false} : vector<1000x128xf32>, vector<128x128xf32>, vector<1000x128xf32> -> vector<1000x128xf32>
    %swap3A = arith.constant 0 : index
    %swap3A_58 = arith.constant 0 : index
    %swap3A_59 = vector.load %arg12[%swap3A, %swap3A_58] : memref<1000x128xf32, #tpu.memory_space<vmem>>, vector<1000x128xf32>
    tpu.vector_store %arg12[%swap3A, %swap3A_58], %dot_general3A_57 {strides = array<i32>} : memref<1000x128xf32, #tpu.memory_space<vmem>>, vector<1000x128xf32>,
    return
  }
  func.func @transform_0(%arg0: i32) -> (i32, i32) {
    %c0_i32 = arith.constant 0 : i32
    %c0_i32_0 = arith.constant 0 : i32
    return %arg0, %c0_i32 : i32, i32
  }
  func.func @transform_1(%arg0: i32) -> (i32, i32) {
    %c0_i32 = arith.constant 0 : i32
    %c0_i32_0 = arith.constant 0 : i32
    return %arg0, %c0_i32 : i32, i32
  }
  func.func @transform_2(%arg0: i32) -> (i32, i32) {
    %c0_i32 = arith.constant 0 : i32
    %c0_i32_0 = arith.constant 0 : i32
    %c0_i32_1 = arith.constant 0 : i32
    return %c0_i32, %c0_i32_0 : i32, i32
  }
  func.func @transform_3(%arg0: i32) -> (i32, i32) {
    %c0_i32 = arith.constant 0 : i32
    %c0_i32_0 = arith.constant 0 : i32
    %c0_i32_1 = arith.constant 0 : i32
    return %c0_i32, %c0_i32_0 : i32, i32
  }
  func.func @transform_4(%arg0: i32) -> (i32, i32) {
    %c0_i32 = arith.constant 0 : i32
    %c0_i32_0 = arith.constant 0 : i32
    %c0_i32_1 = arith.constant 0 : i32
    return %c0_i32, %c0_i32_0 : i32, i32
  }
  func.func @transform_5(%arg0: i32) -> (i32, i32) {
    %c0_i32 = arith.constant 0 : i32
    %c0_i32_0 = arith.constant 0 : i32
    %c0_i32_1 = arith.constant 0 : i32
    return %c0_i32, %c0_i32_0 : i32, i32
  }
  func.func @transform_6(%arg0: i32) -> (i32, i32) {
    %c0_i32 = arith.constant 0 : i32
    %c0_i32_0 = arith.constant 0 : i32
    %c0_i32_1 = arith.constant 0 : i32
    return %c0_i32, %c0_i32_0 : i32, i32
  }
  func.func @transform_7(%arg0: i32) -> (i32, i32) {
    %c0_i32 = arith.constant 0 : i32
    %c0_i32_0 = arith.constant 0 : i32
    %c0_i32_1 = arith.constant 0 : i32
    return %c0_i32, %c0_i32_0 : i32, i32
  }
  func.func @transform_8(%arg0: i32) -> (i32, i32) {
    %c0_i32 = arith.constant 0 : i32
    %c0_i32_0 = arith.constant 0 : i32
    %c0_i32_1 = arith.constant 0 : i32
    return %c0_i32, %c0_i32_0 : i32, i32
  }
  func.func @transform_9(%arg0: i32) -> (i32, i32) {
    %c0_i32 = arith.constant 0 : i32
    %c0_i32_0 = arith.constant 0 : i32
    %c0_i32_1 = arith.constant 0 : i32
    return %c0_i32, %c0_i32_0 : i32, i32
  }
  func.func @transform_10(%arg0: i32) -> (i32, i32) {
    %c0_i32 = arith.constant 0 : i32
    %c0_i32_0 = arith.constant 0 : i32
    %c0_i32_1 = arith.constant 0 : i32
    return %c0_i32, %c0_i32_0 : i32, i32
  }
  func.func @transform_11(%arg0: i32) -> (i32, i32) {
    %c0_i32 = arith.constant 0 : i32
    %c0_i32_0 = arith.constant 0 : i32
    return %arg0, %c0_i32 : i32, i32
  }
}

module attributes {stable_mosaic.version = 14 : i64} {
  func.func @_mid_body(%arg0: i32, %arg1: memref<2x1000x128xf32, #tpu.memory_space<vmem>>, %arg2: memref<1000x4xf32, #tpu.memory_space<vmem>>, %arg3: memref<128x128xf32, #tpu.memory_space<vmem>>, %arg4: memref<1x128xf32, #tpu.memory_space<vmem>>, %arg5: memref<1000x128xf32, #tpu.memory_space<vmem>>) attributes {dimension_semantics = [#tpu.dimension_semantics<arbitrary>], iteration_bounds = array<i64: 10>, scalar_prefetch = 0 : i64, scratch_operands = 0 : i64, tpu.core_type = #tpu.core_type<tc>, window_params = [{transform_indices = @transform_0, window_bounds = array<i64: 2, 1000, 128>}, {transform_indices = @transform_1, window_bounds = array<i64: 1000, 4>}, {pipeline_mode = #tpu.pipeline_mode<synchronous>, transform_indices = @transform_2, window_bounds = array<i64: 128, 128>}, {pipeline_mode = #tpu.pipeline_mode<synchronous>, transform_indices = @transform_3, window_bounds = array<i64: 1, 128>}, {transform_indices = @transform_4, window_bounds = array<i64: 1000, 128>}]} {
    %get3A = arith.constant 0 : index
    %get3A_0 = arith.constant 0 : index
    %get3A_1 = arith.constant 0 : index
    %get3A_2 = vector.load %arg1[%get3A, %get3A_0, %get3A_1] : memref<2x1000x128xf32, #tpu.memory_space<vmem>>, vector<1x1000x128xf32>
    %get3A_3 = vector.shape_cast %get3A_2 : vector<1x1000x128xf32> to vector<1000x128xf32>
    %get3A_4 = arith.constant 1 : index
    %get3A_5 = arith.constant 0 : index
    %get3A_6 = arith.constant 0 : index
    %get3A_7 = vector.load %arg1[%get3A_4, %get3A_5, %get3A_6] : memref<2x1000x128xf32, #tpu.memory_space<vmem>>, vector<1x1000x128xf32>
    %get3A_8 = vector.shape_cast %get3A_7 : vector<1x1000x128xf32> to vector<1000x128xf32>
    %add3A = arith.addf %get3A_3, %get3A_8 : vector<1000x128xf32>
    %get3A_9 = arith.constant 0 : index
    %get3A_10 = arith.constant 0 : index
    %get3A_11 = vector.load %arg2[%get3A_9, %get3A_10] : memref<1000x4xf32, #tpu.memory_space<vmem>>, vector<1000x4xf32>
    %slice3A = vector.extract_strided_slice %get3A_11 {offsets = [0, 1], sizes = [1000, 1], strides = [1, 1]} : vector<1000x4xf32> to vector<1000x1xf32>
    %slice3A_12 = vector.extract_strided_slice %get3A_11 {offsets = [0, 3], sizes = [1000, 1], strides = [1, 1]} : vector<1000x4xf32> to vector<1000x1xf32>
    %add3A_13 = arith.addf %slice3A, %slice3A_12 : vector<1000x1xf32>
    %max3A = arith.constant 1.000000e+00 : f32
    %max3A_14 = vector.broadcast %max3A : f32 to vector<1000x1xf32>
    %max3A_15 = arith.maximumf %add3A_13, %max3A_14 : vector<1000x1xf32>
    %rsqrt3A = math.rsqrt %max3A_15 : vector<1000x1xf32>
    %slice3A_16 = vector.extract_strided_slice %get3A_11 {offsets = [0, 0], sizes = [1000, 1], strides = [1, 1]} : vector<1000x4xf32> to vector<1000x1xf32>
    %slice3A_17 = vector.extract_strided_slice %get3A_11 {offsets = [0, 2], sizes = [1000, 1], strides = [1, 1]} : vector<1000x4xf32> to vector<1000x1xf32>
    %add3A_18 = arith.addf %slice3A_16, %slice3A_17 : vector<1000x1xf32>
    %max3A_19 = arith.constant 1.000000e+00 : f32
    %max3A_20 = vector.broadcast %max3A_19 : f32 to vector<1000x1xf32>
    %max3A_21 = arith.maximumf %add3A_18, %max3A_20 : vector<1000x1xf32>
    %rsqrt3A_22 = math.rsqrt %max3A_21 : vector<1000x1xf32>
    %mul3A = vector.broadcast %rsqrt3A : vector<1000x1xf32> to vector<1000x128xf32>
    %mul3A_23 = arith.mulf %add3A, %mul3A : vector<1000x128xf32>
    %get3A_24 = arith.constant 0 : index
    %get3A_25 = arith.constant 0 : index
    %get3A_26 = vector.load %arg4[%get3A_24, %get3A_25] : memref<1x128xf32, #tpu.memory_space<vmem>>, vector<1x128xf32>
    %add3A_27 = vector.broadcast %get3A_26 : vector<1x128xf32> to vector<1000x128xf32>
    %add3A_28 = arith.addf %mul3A_23, %add3A_27 : vector<1000x128xf32>
    %mul3A_29 = vector.broadcast %rsqrt3A_22 : vector<1000x1xf32> to vector<1000x128xf32>
    %mul3A_30 = arith.mulf %add3A_28, %mul3A_29 : vector<1000x128xf32>
    %get3A_31 = arith.constant 0 : index
    %get3A_32 = arith.constant 0 : index
    %get3A_33 = vector.load %arg3[%get3A_31, %get3A_32] : memref<128x128xf32, #tpu.memory_space<vmem>>, vector<128x128xf32>
    %dot_general3A = arith.constant dense<0.000000e+00> : vector<1000x128xf32>
    %dot_general3A_34 = tpu.matmul %mul3A_30, %get3A_33, %dot_general3A {dimension_numbers = #tpu.dot_dimension_numbers<[1], [0], [0], [1], [0, 0, 1, 1], [], []>, transpose_lhs_hint = false} : vector<1000x128xf32>, vector<128x128xf32>, vector<1000x128xf32> -> vector<1000x128xf32>
    %swap3A = arith.constant 0 : index
    %swap3A_35 = arith.constant 0 : index
    %swap3A_36 = vector.load %arg5[%swap3A, %swap3A_35] : memref<1000x128xf32, #tpu.memory_space<vmem>>, vector<1000x128xf32>
    tpu.vector_store %arg5[%swap3A, %swap3A_35], %dot_general3A_34 {strides = array<i32>} : memref<1000x128xf32, #tpu.memory_space<vmem>>, vector<1000x128xf32>,
    return
  }
  func.func @transform_0(%arg0: i32) -> (i32, i32, i32) {
    %c0_i32 = arith.constant 0 : i32
    %c0_i32_0 = arith.constant 0 : i32
    %c0_i32_1 = arith.constant 0 : i32
    return %c0_i32, %arg0, %c0_i32_0 : i32, i32, i32
  }
  func.func @transform_1(%arg0: i32) -> (i32, i32) {
    %c0_i32 = arith.constant 0 : i32
    %c0_i32_0 = arith.constant 0 : i32
    return %arg0, %c0_i32 : i32, i32
  }
  func.func @transform_2(%arg0: i32) -> (i32, i32) {
    %c0_i32 = arith.constant 0 : i32
    %c0_i32_0 = arith.constant 0 : i32
    %c0_i32_1 = arith.constant 0 : i32
    return %c0_i32, %c0_i32_0 : i32, i32
  }
  func.func @transform_3(%arg0: i32) -> (i32, i32) {
    %c0_i32 = arith.constant 0 : i32
    %c0_i32_0 = arith.constant 0 : i32
    %c0_i32_1 = arith.constant 0 : i32
    return %c0_i32, %c0_i32_0 : i32, i32
  }
  func.func @transform_4(%arg0: i32) -> (i32, i32) {
    %c0_i32 = arith.constant 0 : i32
    %c0_i32_0 = arith.constant 0 : i32
    return %arg0, %c0_i32 : i32, i32
  }
}

module attributes {stable_mosaic.version = 14 : i64} {
  func.func @_fin_body(%arg0: i32, %arg1: memref<2x1000x128xf32, #tpu.memory_space<vmem>>, %arg2: memref<1000x4xf32, #tpu.memory_space<vmem>>, %arg3: memref<1x128xf32, #tpu.memory_space<vmem>>, %arg4: memref<1000x128xf32, #tpu.memory_space<vmem>>) attributes {dimension_semantics = [#tpu.dimension_semantics<arbitrary>], iteration_bounds = array<i64: 10>, scalar_prefetch = 0 : i64, scratch_operands = 0 : i64, tpu.core_type = #tpu.core_type<tc>, window_params = [{transform_indices = @transform_0, window_bounds = array<i64: 2, 1000, 128>}, {transform_indices = @transform_1, window_bounds = array<i64: 1000, 4>}, {pipeline_mode = #tpu.pipeline_mode<synchronous>, transform_indices = @transform_2, window_bounds = array<i64: 1, 128>}, {transform_indices = @transform_3, window_bounds = array<i64: 1000, 128>}]} {
    %get3A = arith.constant 0 : index
    %get3A_0 = arith.constant 0 : index
    %get3A_1 = arith.constant 0 : index
    %get3A_2 = vector.load %arg1[%get3A, %get3A_0, %get3A_1] : memref<2x1000x128xf32, #tpu.memory_space<vmem>>, vector<1x1000x128xf32>
    %get3A_3 = vector.shape_cast %get3A_2 : vector<1x1000x128xf32> to vector<1000x128xf32>
    %get3A_4 = arith.constant 1 : index
    %get3A_5 = arith.constant 0 : index
    %get3A_6 = arith.constant 0 : index
    %get3A_7 = vector.load %arg1[%get3A_4, %get3A_5, %get3A_6] : memref<2x1000x128xf32, #tpu.memory_space<vmem>>, vector<1x1000x128xf32>
    %get3A_8 = vector.shape_cast %get3A_7 : vector<1x1000x128xf32> to vector<1000x128xf32>
    %add3A = arith.addf %get3A_3, %get3A_8 : vector<1000x128xf32>
    %get3A_9 = arith.constant 0 : index
    %get3A_10 = arith.constant 0 : index
    %get3A_11 = vector.load %arg2[%get3A_9, %get3A_10] : memref<1000x4xf32, #tpu.memory_space<vmem>>, vector<1000x4xf32>
    %slice3A = vector.extract_strided_slice %get3A_11 {offsets = [0, 1], sizes = [1000, 1], strides = [1, 1]} : vector<1000x4xf32> to vector<1000x1xf32>
    %slice3A_12 = vector.extract_strided_slice %get3A_11 {offsets = [0, 3], sizes = [1000, 1], strides = [1, 1]} : vector<1000x4xf32> to vector<1000x1xf32>
    %add3A_13 = arith.addf %slice3A, %slice3A_12 : vector<1000x1xf32>
    %max3A = arith.constant 1.000000e+00 : f32
    %max3A_14 = vector.broadcast %max3A : f32 to vector<1000x1xf32>
    %max3A_15 = arith.maximumf %add3A_13, %max3A_14 : vector<1000x1xf32>
    %rsqrt3A = math.rsqrt %max3A_15 : vector<1000x1xf32>
    %mul3A = vector.broadcast %rsqrt3A : vector<1000x1xf32> to vector<1000x128xf32>
    %mul3A_16 = arith.mulf %add3A, %mul3A : vector<1000x128xf32>
    %get3A_17 = arith.constant 0 : index
    %get3A_18 = arith.constant 0 : index
    %get3A_19 = vector.load %arg3[%get3A_17, %get3A_18] : memref<1x128xf32, #tpu.memory_space<vmem>>, vector<1x128xf32>
    %add3A_20 = vector.broadcast %get3A_19 : vector<1x128xf32> to vector<1000x128xf32>
    %add3A_21 = arith.addf %mul3A_16, %add3A_20 : vector<1000x128xf32>
    %swap3A = arith.constant 0 : index
    %swap3A_22 = arith.constant 0 : index
    %swap3A_23 = vector.load %arg4[%swap3A, %swap3A_22] : memref<1000x128xf32, #tpu.memory_space<vmem>>, vector<1000x128xf32>
    tpu.vector_store %arg4[%swap3A, %swap3A_22], %add3A_21 {strides = array<i32>} : memref<1000x128xf32, #tpu.memory_space<vmem>>, vector<1000x128xf32>,
    return
  }
  func.func @transform_0(%arg0: i32) -> (i32, i32, i32) {
    %c0_i32 = arith.constant 0 : i32
    %c0_i32_0 = arith.constant 0 : i32
    %c0_i32_1 = arith.constant 0 : i32
    return %c0_i32, %arg0, %c0_i32_0 : i32, i32, i32
  }
  func.func @transform_1(%arg0: i32) -> (i32, i32) {
    %c0_i32 = arith.constant 0 : i32
    %c0_i32_0 = arith.constant 0 : i32
    return %arg0, %c0_i32 : i32, i32
  }
  func.func @transform_2(%arg0: i32) -> (i32, i32) {
    %c0_i32 = arith.constant 0 : i32
    %c0_i32_0 = arith.constant 0 : i32
    %c0_i32_1 = arith.constant 0 : i32
    return %c0_i32, %c0_i32_0 : i32, i32
  }
  func.func @transform_3(%arg0: i32) -> (i32, i32) {
    %c0_i32 = arith.constant 0 : i32
    %c0_i32_0 = arith.constant 0 : i32
    return %arg0, %c0_i32 : i32, i32
  }
}

</mosaic_0001>

<sc_bundles>
// kernel: kernel.11.cloned.1.call-start
scs
__scs_entry_jumppad:
0x0: {  	(pc) =	sbr.rel $0x88, $3  }
0x1: {  	(tag) =	ssettag $0x0;
	lr =	simm.s32 $0x1  }
0x2: {  	[smem:$0x3F95] =	sst lr;
	_ =	strace $0xD0000000  }
0x3: {  	_ = 	snop  }
0x4: {  	_ = 	snop  }
0x5: {  	_ = 	snop  }
0x6: {  	_ = 	snop  }
0x7: {  	_ = 	snop  }
__scs_overlays_trampoline_lowered:
0x8: {  	[smem:$0x3FA4] =	sst s0  }
0x9: {  	[smem:$0x3FA5] =	sst s1  }
0xa: {  	[smem:$0x3FA6] =	sst s2  }
0xb: {  	[smem:$0x3FA7] =	sst s3  }
0xc: {  	[smem:$0x3FA8] =	sst s4  }
0xd: {  	[smem:$0x3FA9] =	sst s5  }
0xe: {  	[smem:$0x3FAA] =	sst s6  }
0xf: {  	[smem:$0x3FAB] =	sst s7  }
0x10: {  	[smem:$0x3FAC] =	sst s8  }
0x11: {  	[smem:$0x3FAD] =	sst s9;
	s0 =	simm.s32 @!p0 $0x0  }
0x12: {  	s1 =	sld [smem:$0x3F93];
	s0 =	simm.s32 @p0 $0x1  }
0x13: {  	[smem:$0x3FAE] =	sst s0;
	s0 =	simm.s32 @!p1 $0x0  }
0x14: {  	s2 =	sld [smem:$0x3F92];
	s0 =	simm.s32 @p1 $0x1  }
0x15: {  	[smem:$0x3FAF] =	sst s0;
	s0 =	simm.s32 @!p2 $0x0  }
0x16: {  	s3 =	sld [smem:$0x3FDB];
	s0 =	simm.s32 @p2 $0x1  }
0x17: {  	s4 =	simm.s32 $0x1BF5;
	[smem:$0x3FB1] =	sst s0  }
0x18: {  	s0 =	sld [smem:$0x3F94];
	_ =	swait.ge [sflag:s4], $0x0  }
0x19: {  	s7 =	sld [smem:$0x3F95]  }
0x1a: {  	s8 =	sadd.s32 $0xFFFFE003, lr  }
0x1b: {  	s9 =	sadd.s32 $0xFFFFFEF7, lr;
	s5 =	simm.s32 $0xFFFFFFFF;
	p2 =	slt.u32 s8, $0xFFFFF086  }
0x1c: {  	p1 =	slt.u32 s9, $0xF7A;
	s5 =	simm.s32 @!p2 $0x0  }
0x1d: {  	s5 =	simm.s32 @p1 $0x1;
	p0 =	seq.s32 s7, s2  }
0x1e: {  	s7 =	smul.u32 @!p0 $0xF7A, s2;
	p2 =	seq.s32 @!p0 s5, $0x0  }
0x1f: {  	s9 =	smul.u32 $0xF7A, s1;
	s8 =	simm.s32 @!p0 $0x1BF5;
	p2 =	por !p2, p0  }
0x20: {  	[sflag:s8] =	ssyncset.s32 @!p0 $0xFFFFF086;
	s6 =	sadd.s32 @!p0 s3, s7;
	s7 =	simm.s32 @!p0 $0x108  }
0x21: {  	s3 =	sadd.s32 s3, s9;
	s6 =	sadd.s32 @!p0 $0x88, s6;
	s7 =	simm.s32 @p2 $0x1082  }
0x22: {  	[simem:s7], [sflag:s8] =	dma.local @!p0 [hbm:s6], $0xF7A  }
0x23: {  	s9 =	sor.u32 $0xD0000000, s2;
	s6 =	simm.s32 $0x108;
	_ =	swait.ge @!p0 [sflag:s8], $0x0  }
0x24: {  	s3 =	sadd.s32 $0x88, s3;
	s6 =	simm.s32 @!p1 $0x1082;
	[sflag:s4] =	ssyncset.s32 $0xFFFFF086  }
0x25: {  	[simem:s6], [sflag:s4] =	dma.local [hbm:s3], $0xF7A  }
0x26: {  	[smem:$0x3F95] =	sst s1;
	(tag) =	ssettag s2;
	_ =	strace s9  }
0x27: {  	s1 =	sld [smem:$0x3FA5]  }
0x28: {  	s2 =	sld [smem:$0x3FA6]  }
0x29: {  	s4 =	sld [smem:$0x3FA8]  }
0x2a: {  	p0 =	seq.s32 s5, $0x0;
	s5 =	sld [smem:$0x3FA9]  }
0x2b: {  	s6 =	sld [smem:$0x3FAA]  }
0x2c: {  	s7 =	sld [smem:$0x3FAB]  }
0x2d: {  	s3 =	simm.s32 $0x108;
	s8 =	sld [smem:$0x3FAC]  }
0x2e: {  	s3 =	simm.s32 @!p0 $0x1082;
	s9 =	sld [smem:$0x3FAD]  }
0x2f: {  	lr =	sadd.s32 s0, s3;
	s0 =	sld [smem:$0x3FA4]  }
0x30: {  	s3 =	sld [smem:$0x3FA7]  }
0x31: {  	[smem:$0x3FB0] =	sst s10  }
0x32: {  	s10 =	sld [smem:$0x3FAE];
	_ =	sdelay $0x3  }
0x33: {  	p0 =	seq.s32 s10, $0x1;
	s10 =	sld [smem:$0x3FB0];
	_ =	sdelay $0x3  }
0x34: {  	[smem:$0x3FB0] =	sst s10  }
0x35: {  	s10 =	sld [smem:$0x3FAF];
	_ =	sdelay $0x3  }
0x36: {  	p1 =	seq.s32 s10, $0x1;
	s10 =	sld [smem:$0x3FB0];
	_ =	sdelay $0x3  }
0x37: {  	[smem:$0x3FB0] =	sst s10  }
0x38: {  	s10 =	sld [smem:$0x3FB1]  }
0x39: {  	_ = 	snop;
	(pc) =	sbr.ind lr, $3  }
0x3a: {  	_ = 	snop  }
0x3b: {  	_ = 	snop  }
0x3c: {  	p2 =	seq.s32 s10, $0x1;
	s10 =	sld [smem:$0x3FB0]  }
0x3d: {  	_ =	shalt  }
0x3e: {  	_ =	shalt  }
0x3f: {  	_ =	shalt  }
0x40: {  	_ =	shalt  }
0x41: {  	_ =	shalt  }
0x42: {  	_ =	shalt  }
0x43: {  	_ =	shalt  }
0x44: {  	_ =	shalt  }
0x45: {  	_ =	shalt  }
0x46: {  	_ =	shalt  }
0x47: {  	_ =	shalt  }
0x48: {  	_ =	shalt  }
0x49: {  	_ =	shalt  }
0x4a: {  	_ =	shalt  }
0x4b: {  	_ =	shalt  }
0x4c: {  	_ =	shalt  }
0x4d: {  	_ =	shalt  }
0x4e: {  	_ =	shalt  }
0x4f: {  	_ =	shalt  }
0x50: {  	_ =	shalt  }
0x51: {  	_ =	shalt  }
0x52: {  	_ =	shalt  }
0x53: {  	_ =	shalt  }
0x54: {  	_ =	shalt  }
0x55: {  	_ =	shalt  }
0x56: {  	_ =	shalt  }
0x57: {  	_ =	shalt  }
0x58: {  	_ =	shalt  }
0x59: {  	_ =	shalt  }
0x5a: {  	_ =	shalt  }
0x5b: {  	_ =	shalt  }
0x5c: {  	_ =	shalt  }
0x5d: {  	_ =	shalt  }
0x5e: {  	_ =	shalt  }
0x5f: {  	_ =	shalt  }
0x60: {  	_ =	shalt  }
0x61: {  	_ =	shalt  }
0x62: {  	_ =	shalt  }
0x63: {  	_ =	shalt  }
0x64: {  	_ =	shalt  }
0x65: {  	_ =	shalt  }
0x66: {  	_ =	shalt  }
0x67: {  	_ =	shalt  }
0x68: {  	_ =	shalt  }
0x69: {  	_ =	shalt  }
0x6a: {  	_ =	shalt  }
0x6b: {  	_ =	shalt  }
0x6c: {  	_ =	shalt  }
0x6d: {  	_ =	shalt  }
0x6e: {  	_ =	shalt  }
0x6f: {  	_ =	shalt  }
0x70: {  	_ =	shalt  }
0x71: {  	_ =	shalt  }
0x72: {  	_ =	shalt  }
0x73: {  	_ =	shalt  }
0x74: {  	_ =	shalt  }
0x75: {  	_ =	shalt  }
0x76: {  	_ =	shalt  }
0x77: {  	_ =	shalt  }
0x78: {  	_ =	shalt  }
0x79: {  	_ =	shalt  }
0x7a: {  	_ =	shalt  }
0x7b: {  	_ =	shalt  }
0x7c: {  	_ =	shalt  }
0x7d: {  	_ =	shalt  }
0x7e: {  	_ =	shalt  }
0x7f: {  	_ =	shalt  }
0x80: {  	_ =	shalt  }
0x81: {  	_ =	shalt  }
0x82: {  	_ =	shalt  }
0x83: {  	_ =	shalt  }
0x84: {  	_ =	shalt  }
0x85: {  	_ =	shalt  }
0x86: {  	_ =	shalt  }
0x87: {  	_ =	shalt  }
.Lfunc_end0:
.L_simem_size_0:
called_computation.1_lowered:
.L_overlay_start_0:
0x88: {  	s2 =	sld [smem:$0x3FD9]  }
0x89: {  	s3 =	sld [smem:$0x3FFE];
	_ =	sdelay $0x1  }
0x8a: {  	s1 =	srdreg.scid  }
0x8b: {  	s0 =	sand.u32 $0x1, s1  }
0x8c: {  	s17 =	sshll.u32 s0, $0xA;
	s2 =	sadd.s32 s3, s2  }
0x8d: {  	s2 =	sadd.s32 s2, s17  }
0x8e: {  	[smem:$0x3FBC] =	sst s2  }
0x8f: {  	_ = 	snop  }
0x90: {  	s2 =	sld [smem:$0x3FD0];
	(tm) =	ssettm $0x1  }
0x91: {  	s18 =	sld [smem:$0x3FFB];
	_ =	sdelay $0x3  }
0x92: {  	_ =	strace s18  }
0x93: {  	s3 =	sld [smem:$0x3FFC];
	_ =	sdelay $0x3  }
0x94: {  	_ =	strace s3  }
0x95: {  	s3 =	sld [smem:$0x3FFD];
	_ =	sdelay $0x3  }
0x96: {  	_ =	strace s3  }
0x97: {  	_ =	strace $0x8FFFFFFF  }
0x98: {  	s19 =	sld [smem:$0x3FDB];
	_ =	sdelay $0x1  }
0x99: {  	s4 =	simm.s32 $_scs_section_size  }
0x9a: {  	s5 =	simm.s32 $_size__tile_overlayer_lowered;
	s6 =	simm.s32 $_tile_overlayer_lowered  }
0x9b: {  	s22 =	simm.s32 $0x1BFF;
	s21 =	sshll.u32 s6, $0x1;
	s3 =	sadd.s32 s4, s19  }
0x9c: {  	s7 =	simm.s32 $0x0;
	s20 =	sshll.u32 s5, $0x1;
	s5 =	sadd.s32 s21, s3  }
0x9d: {  	[timem:s7], [sflag:s22] =	dma.local [hbm:s5], s20  }
0x9e: {  	_ =	swait.ge [sflag:s22], s20  }
0x9f: {  	s4 =	ssub.s32 $0x0, s20;
	[sflag:s22] =	ssyncset.done $0x0  }
0xa0: {  	[sflag:s22] =	ssyncadd.s32 s4;
	_ =	sdelay $0x1  }
0xa1: {  	s23 =	simm.s32 $0x1B8B  }
0xa2: {  	_ =	swait.ge [sflag:s23], $0x1  }
0xa3: {  	[sflag:s23] =	ssyncset.done $0x0  }
0xa4: {  	s25 =	simm.s32 $0x1B8E;
	s24 =	sld [smem:$0x3FFE];
	[sflag:s23] =	ssyncadd.s32 $0xFFFFFFFF  }
0xa5: {  	s26 =	simm.s32 $execute0_lowered;
	[smem:$0x3FD2] =	sst s25  }
0xa6: {  	s5 =	sshll.u32 s26, $0x1;
	_ =	strace $0x80000049;
	[dreg:$0x1] =	wrdreg $0xFFFFFFFF  }
0xa7: {  	s28 =	simm.s32 $_size_execute0_lowered;
	s3 =	sadd.s32 s3, s5;
	[dreg:$0x0] =	wrdreg $0x0  }
0xa8: {  	s5 =	sshll.u32 s28, $0x1;
	[dreg:$0x2] =	wrdreg s3  }
0xa9: {  	[dreg:$0x3] =	wrdreg s5  }
0xaa: {  	[dreg:$0x4] =	wrdreg $0xC0  }
0xab: {  	_ =	task [dreg:s7], $0x5FFFF  }
0xac: {  	[dreg:$0x1] =	wrdreg $0xFFFFFFFF  }
0xad: {  	[dreg:$0x0] =	wrdreg $0x60  }
0xae: {  	[dreg:$0x2] =	wrdreg s2  }
0xaf: {  	[dreg:$0x3] =	wrdreg s24  }
0xb0: {  	[dreg:$0x4] =	wrdreg $0xB0000  }
0xb1: {  	[dreg:$0x5] =	wrdreg $0x9  }
0xb2: {  	_ =	task.clear_ibuf [dreg:s7], $0x6FFFF;
	_ =	strace $0x90000049  }
0xb3: {  	s29 =	simm.s32 $0x9;
	_ =	strace $0x8000004B  }
0xb4: {  	_ =	swait.ge [sflag:s29], $0x1  }
0xb5: {  	[sflag:s29] =	ssyncadd.s32 $0xFFFFFFFF  }
0xb6: {  	_ =	strace $0x9000004B  }
0xb7: {  	_ =	sfence  }
0xb8: {  	s30 =	sld [smem:$0x0];
	_ =	sdelay $0x2  }
0xb9: {  	s31 =	sshll.u32 s1, $0xD;
	s1 =	sshrl.u32 s1, $0x2  }
0xba: {  	s3 =	sand.u32 $0x4000, s31;
	s1 =	sadd.s32 s1, s30  }
0xbb: {  	s0 =	sor.u32 s3, s0;
	s1 =	sshll.u32 s1, $0x11  }
0xbc: {  	s0 =	sor.u32 s1, s0  }
0xbd: {  	s0 =	sadd.s32 $0x8F2B, s0  }
0xbe: {  	[sflag:s0] =	ssyncadd.remote.s32 $0x1  }
0xbf: {  	_ =	sfence.sel $0xFFFF  }
0xc0: {  	[dreg:$0x0] =	wrdreg $0xFFFFFFFF;
	(pc) =	sbr.abs _section_cstart, $3  }
0xc1: {  	[dreg:$0x1] =	wrdreg $0xFFFFFFFF  }
0xc2: {  	_ =	task.clear_ibuf [dreg:s7], $0x2FFFF;
	_ =	strace $0x9FFFFFFF  }
0xc3: {  	(tm) =	ssettm $0x7FFFFFFF  }
tec
execute0_lowered:
.L_overlay_start_1:
0x0: {  	(tag) =	ssettag $0x1  }
0x1: {  	s0 =	rddreg [dreg:$0x0]  }
0x2: {  	s5 =	rddreg [dreg:$0x1]  }
0x3: {  	s1 =	srdreg.scid;
	s2 =	stileid.u32  }
0x4: {  	s3 =	rddreg [dreg:$0x2];
	s4 =	simm.s32 $0x0;
	s18 =	simm.s32 $0x7D  }
0x5: {  	s19 =	simm.s32 $0x80;
	s20 =	simm.s32 $0x7000;
	s21 =	simm.s32 $0x3  }
0x6: {  	s22 =	simm.s32 $0x4;
	s23 =	simm.s32 $0x1;
	s26 =	simm.s32 $0x2  }
0x7: {  	s10 =	sand.u32 $0x1, s1;
	s6 =	sshll.u32 s2, $0x1;
	s7 =	smul.u32 $0x4E200, s2  }
0x8: {  	[smem:$0x7FF] =	sst s4;
	s13 =	sadd.s32 $0x16800, s5;
	s12 =	smul.u32 $0x4E000, s2  }
0x9: {  	s16 =	smul.u32 $0x2700, s2;
	s25 =	sadd.s32 $0x138000, s3;
	p0 =	sne.s32 s2, $0x0  }
0xa: {  	s6 =	sor.u32 s10, s6;
	_ =	strace $0x8000004A;
	s15 =	smul.u32 $0x27100, s10  }
0xb: {  	s28 =	ssub.s32 $0x2, s10;
	s17 =	smul.u32 $0x138800, s10;
	s25 =	sshrl.u32 @!p0 s25, $0x3  }
0xc: {  	s6 =	smul.u32 $0x500, s6;
	s29 =	sshrl.u32 s28, $0x1;
	s12 =	sshrl.u32 s12, $0x2  }
0xd: {  	s7 =	sshrl.u32 s7, $0x2;
	s14 =	ssub.s32 s28, s29;
	s24 =	sadd.s32 s12, s3  }
0xe: {  	s30 =	sadd.s32 s16, s15;
	s31 =	sshrl.u32 s17, $0x3;
	s15 =	simm.s32 $0x3000  }
0xf: {  	s16 =	simm.s32 $0x5;
	s17 =	simm.s32 $0x800;
	s11 =	sadd.s32 s6, s5  }
0x10: {  	s5 =	sadd.s32 s7, s3;
	s12 =	sadd.s32 s13, s30;
	s13 =	sadd.s32 s13, s31  }
0x11: {  	s14 =	smax.u32 s14, $0x1;
	s24 =	sshrl.u32 s24, $0x3;
	s6 =	sadd.s32 $0x3E80, s5  }
0x12: {  	s7 =	sadd.s32 $0x7D00, s5;
	s8 =	sadd.s32 $0xBB80, s5;
	s9 =	sadd.s32 $0xFA00, s5  }
0x13: {  	v0 =	vimm.f32 $0.0e+00;
	s10 =	sadd.s32 $0x2800, s11;
	s11 =	sadd.s32 $0xC800, s11;
	s13 =	sadd.s32 $0x27000, s13  }
.LBB2_1:
0x14: {  	s28 =	simm.s32 $0x0;
	s29 =	simm.s32 $0x200  }
.LBB2_2:
0x15: {  	p1 =	sne.s32 s29, $0xF800;
	[tilespmem:s28+$0x3070] =	vst v0  }
0x16: {  	[tilespmem:s28+$0x3000] =	vst v0  }
0x17: {  	[tilespmem:s28+$0x3010] =	vst v0  }
.Ltmp0:
0x18: {  	[tilespmem:s28+$0x3020] =	vst v0;
	(pc) =	sbr.rel @p1 .LBB2_2-.Ltmp0, $4  }
0x19: {  	[tilespmem:s28+$0x3030] =	vst v0  }
0x1a: {  	[tilespmem:s28+$0x3040] =	vst v0  }
0x1b: {  	[tilespmem:s28+$0x3050] =	vst v0  }
0x1c: {  	[tilespmem:s28+$0x3060] =	vst v0;
	s28 =	sshra.s32 s29, $0x2;
	s29 =	sadd.s32 $0x200, s29  }
0x1d: {  	[tilespmem:s28+$0x3070] =	vst v0  }
0x1e: {  	[tilespmem:s28+$0x3000] =	vst v0  }
0x1f: {  	[tilespmem:s28+$0x3010] =	vst v0  }
0x20: {  	[tilespmem:s28+$0x3020] =	vst v0  }
0x21: {  	[tilespmem:s28+$0x3030] =	vst v0  }
0x22: {  	[tilespmem:s28+$0x3040] =	vst v0  }
0x23: {  	[tilespmem:s28+$0x3050] =	vst v0  }
0x24: {  	[tilespmem:s28+$0x3060] =	vst v0  }
0x25: {  	[spmem:s5] =	stream.linear.scatter [tilespmem:s15], [sflag:$0x5], $0x3E80, $0x38;
	[tilespmem:$0x1E880] =	vst v63  }
0x26: {  	_ =	swait.ge [sflag:s16], $0x3E80  }
0x27: {  	[sflag:s16] =	ssyncset.done $0x0  }
0x28: {  	[sflag:s16] =	ssyncadd.s32 $0xFFFFC180  }
0x29: {  	[spmem:s6] =	stream.linear.scatter [tilespmem:s15], [sflag:$0x5], $0x3E80, $0x38;
	[tilespmem:$0x1E880] =	vst v63  }
0x2a: {  	_ =	swait.ge [sflag:s16], $0x3E80  }
0x2b: {  	[sflag:s16] =	ssyncset.done $0x0  }
0x2c: {  	[sflag:s16] =	ssyncadd.s32 $0xFFFFC180  }
0x2d: {  	[spmem:s7] =	stream.linear.scatter [tilespmem:s15], [sflag:$0x5], $0x3E80, $0x38;
	[tilespmem:$0x1E880] =	vst v63  }
0x2e: {  	_ =	swait.ge [sflag:s16], $0x3E80  }
0x2f: {  	[sflag:s16] =	ssyncset.done $0x0  }
0x30: {  	[sflag:s16] =	ssyncadd.s32 $0xFFFFC180  }
0x31: {  	[spmem:s8] =	stream.linear.scatter [tilespmem:s15], [sflag:$0x5], $0x3E80, $0x38;
	[tilespmem:$0x1E880] =	vst v63  }
0x32: {  	_ =	swait.ge [sflag:s16], $0x3E80  }
0x33: {  	[sflag:s16] =	ssyncset.done $0x0  }
0x34: {  	[sflag:s16] =	ssyncadd.s32 $0xFFFFC180  }
0x35: {  	[spmem:s9] =	stream.linear.scatter [tilespmem:s15], [sflag:$0x5], $0x3E80, $0x38;
	[tilespmem:$0x1E880] =	vst v63  }
0x36: {  	_ =	swait.ge [sflag:s16], $0x3E80  }
0x37: {  	[sflag:s16] =	ssyncset.done $0x0  }
0x38: {  	[sflag:s16] =	ssyncadd.s32 $0xFFFFC180  }
0x39: {  	s28 =	simm.s32 $0x0;
	[bflag:$0x0] =	sbarrier.arrive $0xFFFF  }
0x3a: {  	[tilespmem:s17], [sflag:$0x5] =	stream.linear.gather [hbm4b:s10+s28], $0x2800, $0x38;
	[tilespmem:$0x1E880] =	vst v63  }
0x3b: {  	_ =	swait.ge [sflag:s16], $0x2800  }
0x3c: {  	[sflag:s16] =	ssyncset.done $0x0  }
0x3d: {  	[sflag:s16] =	ssyncadd.s32 $0xFFFFD800  }
0x3e: {  	[tilespmem:s28], [sflag:$0x5] =	stream.linear.gather [hbm4b:s11+s28], $0x800, $0x38;
	[tilespmem:$0x1E880] =	vst v63  }
0x3f: {  	_ =	swait.ge [sflag:s16], $0x800  }
0x40: {  	[sflag:s16] =	ssyncset.done $0x0  }
0x41: {  	[sflag:s16] =	ssyncadd.s32 $0xFFFFF800  }
0x42: {  	[tilespmem:s15], [sflag:$0x1] =	stream.indirect.gather [hbm4b:s0+s18], $0x80, s28, s18, $0xb8;
	[tilespmem:$0x1E880] =	vst v63  }
0x43: {  	_ = 	snop  }
0x44: {  	[tilespmem:s20], [sflag:$0x2] =	stream.indirect.gather [hbm4b:s0+s18], $0x80, s19, s18, $0xb8;
	[tilespmem:$0x1E880] =	vst v63  }
0x45: {  	s28 =	simm.s32 $0x800  }
0x46: {  	[spmem:s3] =	stream.indirect.scatter.add.f32 [tilespmem:s15], [sflag:$0x3], $0x80, s28, s18, $0xb8;
	[tilespmem:$0x1E880] =	vst v63  }
0x47: {  	_ =	swait.ge [sflag:s21], $0x3E80  }
0x48: {  	[sflag:s21] =	ssyncset.done $0x0  }
0x49: {  	s28 =	simm.s32 $0x880;
	[sflag:s21] =	ssyncadd.s32 $0xFFFFC180  }
0x4a: {  	[spmem:s3] =	stream.indirect.scatter.add.f32 [tilespmem:s20], [sflag:$0x4], $0x80, s28, s18, $0xb8;
	[tilespmem:$0x1E880] =	vst v63  }
0x4b: {  	_ =	swait.ge [sflag:s22], $0x3E80  }
0x4c: {  	s29 =	simm.s32 $0x800;
	s28 =	simm.s32 $0x100;
	[sflag:s22] =	ssyncset.done $0x0  }
.LBB2_4:
0x4d: {  	s30 =	sadd.s32 $0x800, s28  }
0x4e: {  	[sflag:s22] =	ssyncadd.s32 $0xFFFFC180;
	s31 =	smov.u32 s29;
	s1 =	sadd.s32 $0x400, s29  }
0x4f: {  	[spmem:s3] =	stream.indirect.scatter.add.f32 [tilespmem:s15], [sflag:$0x3], $0x80, s30, s18, $0xb8;
	[tilespmem:$0x1E880] =	vst v63  }
0x50: {  	p1 =	sne.s32 s29, $0x9C00;
	_ =	swait.ge [sflag:s21], $0x3E80  }
.Ltmp1:
0x51: {  	[sflag:s21] =	ssyncset.done $0x0;
	(pc) =	sbr.rel @p1 .LBB2_4-.Ltmp1, $4  }
0x52: {  	s28 =	sadd.s32 $0x880, s28;
	[sflag:s21] =	ssyncadd.s32 $0xFFFFC180  }
0x53: {  	[spmem:s3] =	stream.indirect.scatter.add.f32 [tilespmem:s20], [sflag:$0x4], $0x80, s28, s18, $0xb8;
	[tilespmem:$0x1E880] =	vst v63  }
0x54: {  	_ =	swait.ge [sflag:s22], $0x3E80  }
0x55: {  	s29 =	smov.u32 s1;
	s28 =	sshra.s32 s31, $0x2;
	[sflag:s22] =	ssyncset.done $0x0  }
0x56: {  	s1 =	sadd.s32 $0x800, s28;
	[sflag:s22] =	ssyncadd.s32 $0xFFFFC180  }
0x57: {  	[spmem:s3] =	stream.indirect.scatter.add.f32 [tilespmem:s15], [sflag:$0x3], $0x80, s1, s18, $0xb8;
	[tilespmem:$0x1E880] =	vst v63  }
0x58: {  	_ =	swait.ge [sflag:s21], $0x3E80  }
0x59: {  	[sflag:s21] =	ssyncset.done $0x0  }
0x5a: {  	s30 =	sadd.s32 $0x880, s28;
	[sflag:s21] =	ssyncadd.s32 $0xFFFFC180  }
0x5b: {  	[spmem:s3] =	stream.indirect.scatter.add.f32 [tilespmem:s20], [sflag:$0x4], $0x80, s30, s18, $0xb8;
	[tilespmem:$0x1E880] =	vst v63  }
0x5c: {  	_ =	swait.ge [sflag:s22], $0x3E80  }
0x5d: {  	[sflag:s22] =	ssyncset.done $0x0  }
0x5e: {  	[sflag:s22] =	ssyncadd.s32 $0xFFFFC180  }
0x5f: {  	_ =	swait.ge [sflag:s23], $0x3E80  }
0x60: {  	[sflag:s23] =	ssyncset.done $0x0  }
0x61: {  	[sflag:s23] =	ssyncadd.s32 $0xFFFFC180  }
0x62: {  	_ =	swait.ge [sflag:s26], $0x3E80  }
0x63: {  	[sflag:s26] =	ssyncset.done $0x0  }
0x64: {  	s31 =	sshll.u32 s2, $0x6;
	[sflag:s26] =	ssyncadd.s32 $0xFFFFC180  }
0x65: {  	s1 =	sor.u32 $0x1C05, s31;
	[bflag:$0x0] =	sbarrier.arrive $0xFFFF  }
0x66: {  	[hbm:s12], [sflag:s1] =	dma.local [spmem:s24], $0x2700  }
0x67: {  	_ =	swait.ge [sflag:s16], $0x2700  }
0x68: {  	s4 =	sadd.s32 $0x1, s4;
	[sflag:s16] =	ssyncset.done $0x0  }
0x69: {  	p1 =	sne.s32 s4, s14;
	[sflag:s16] =	ssyncadd.s32 $0xFFFFD900  }
0x6a: {  	[hbm:s13], [sflag:s1] =	dma.local @!p0 [spmem:s25], $0x100  }
.Ltmp2:
0x6b: {  	_ = 	snop;
	(pc) =	sbr.rel @p1 .LBB2_1-.Ltmp2, $4  }
0x6c: {  	s1 =	simm.s32 @!p0 $0x5  }
0x6d: {  	_ =	swait.ge @!p0 [sflag:s1], $0x100  }
0x6e: {  	[sflag:s1] =	ssyncset.done @!p0 $0x0  }
0x6f: {  	[sflag:s1] =	ssyncadd.s32 @!p0 $0xFFFFFF00  }
0x70: {  	_ =	sfence.sel $0x180000  }
0x71: {  	[bflag:$0x0] =	sbarrier.arrive $0xFFFF  }
0x72: {  	_ =	strace $0x9000004A  }
0x73: {  	[bflag:$0x2] =	sbarrier.arrive $0xFFFF  }
0x74: {  	s0 =	rddreg [dreg:$0x3]  }
0x75: {  	s0 =	sadd.s32 @!p0 $0x100000, s0  }
0x76: {  	[sflag:s0] =	ssyncadd.tile.s32 @!p0 $0x1;
	_ =	shalt  }
.Lfunc_end2:
_tile_overlayer_lowered:
.L_overlay_start_2:
0x77: {  	(tag) =	ssettag $0x2  }
0x78: {  	s0 =	rddreg [dreg:$0x0];
	s2 =	stileid.u32  }
0x79: {  	s1 =	rddreg [dreg:$0x1];
	p0 =	sne.s32 s2, $0x0  }
0x7a: {  	s3 =	rddreg [dreg:$0x2];
	[bflag:$0x3] =	sbarrier.arrive $0xFFFF;
	s2 =	simm.s32 @!p0 $0x1C05  }
0x7b: {  	[timem:s3], [sflag:s2] =	dma.local @!p0 [hbm:s0], s1  }
0x7c: {  	s0 =	simm.s32 @!p0 $0x5  }
0x7d: {  	_ =	swait.ge @!p0 [sflag:s0], s1  }
0x7e: {  	s1 =	ssub.s32 @!p0 $0x0, s1;
	[sflag:s0] =	ssyncset.done @!p0 $0x0  }
0x7f: {  	[sflag:s0] =	ssyncadd.s32 @!p0 s1  }
0x80: {  	[bflag:$0x3] =	sbarrier.arrive $0xFFFF  }
0x81: {  	_ =	shalt  }

// kernel: kernel.14.cloned.1.call-start
scs
__scs_entry_jumppad:
0x0: {  	(pc) =	sbr.rel $0x88, $3  }
0x1: {  	(tag) =	ssettag $0x0;
	lr =	simm.s32 $0x1  }
0x2: {  	[smem:$0x3F95] =	sst lr;
	_ =	strace $0xD0000000  }
0x3: {  	_ = 	snop  }
0x4: {  	_ = 	snop  }
0x5: {  	_ = 	snop  }
0x6: {  	_ = 	snop  }
0x7: {  	_ = 	snop  }
__scs_overlays_trampoline_lowered:
0x8: {  	[smem:$0x3FA4] =	sst s0  }
0x9: {  	[smem:$0x3FA5] =	sst s1  }
0xa: {  	[smem:$0x3FA6] =	sst s2  }
0xb: {  	[smem:$0x3FA7] =	sst s3  }
0xc: {  	[smem:$0x3FA8] =	sst s4  }
0xd: {  	[smem:$0x3FA9] =	sst s5  }
0xe: {  	[smem:$0x3FAA] =	sst s6  }
0xf: {  	[smem:$0x3FAB] =	sst s7  }
0x10: {  	[smem:$0x3FAC] =	sst s8  }
0x11: {  	[smem:$0x3FAD] =	sst s9;
	s0 =	simm.s32 @!p0 $0x0  }
0x12: {  	s1 =	sld [smem:$0x3F93];
	s0 =	simm.s32 @p0 $0x1  }
0x13: {  	[smem:$0x3FAE] =	sst s0;
	s0 =	simm.s32 @!p1 $0x0  }
0x14: {  	s2 =	sld [smem:$0x3F92];
	s0 =	simm.s32 @p1 $0x1  }
0x15: {  	[smem:$0x3FAF] =	sst s0;
	s0 =	simm.s32 @!p2 $0x0  }
0x16: {  	s3 =	sld [smem:$0x3FDB];
	s0 =	simm.s32 @p2 $0x1  }
0x17: {  	s4 =	simm.s32 $0x1BF5;
	[smem:$0x3FB1] =	sst s0  }
0x18: {  	s0 =	sld [smem:$0x3F94];
	_ =	swait.ge [sflag:s4], $0x0  }
0x19: {  	s7 =	sld [smem:$0x3F95]  }
0x1a: {  	s8 =	sadd.s32 $0xFFFFE003, lr  }
0x1b: {  	s9 =	sadd.s32 $0xFFFFFEF7, lr;
	s5 =	simm.s32 $0xFFFFFFFF;
	p2 =	slt.u32 s8, $0xFFFFF086  }
0x1c: {  	p1 =	slt.u32 s9, $0xF7A;
	s5 =	simm.s32 @!p2 $0x0  }
0x1d: {  	s5 =	simm.s32 @p1 $0x1;
	p0 =	seq.s32 s7, s2  }
0x1e: {  	s7 =	smul.u32 @!p0 $0xF7A, s2;
	p2 =	seq.s32 @!p0 s5, $0x0  }
0x1f: {  	s9 =	smul.u32 $0xF7A, s1;
	s8 =	simm.s32 @!p0 $0x1BF5;
	p2 =	por !p2, p0  }
0x20: {  	[sflag:s8] =	ssyncset.s32 @!p0 $0xFFFFF086;
	s6 =	sadd.s32 @!p0 s3, s7;
	s7 =	simm.s32 @!p0 $0x108  }
0x21: {  	s3 =	sadd.s32 s3, s9;
	s6 =	sadd.s32 @!p0 $0x88, s6;
	s7 =	simm.s32 @p2 $0x1082  }
0x22: {  	[simem:s7], [sflag:s8] =	dma.local @!p0 [hbm:s6], $0xF7A  }
0x23: {  	s9 =	sor.u32 $0xD0000000, s2;
	s6 =	simm.s32 $0x108;
	_ =	swait.ge @!p0 [sflag:s8], $0x0  }
0x24: {  	s3 =	sadd.s32 $0x88, s3;
	s6 =	simm.s32 @!p1 $0x1082;
	[sflag:s4] =	ssyncset.s32 $0xFFFFF086  }
0x25: {  	[simem:s6], [sflag:s4] =	dma.local [hbm:s3], $0xF7A  }
0x26: {  	[smem:$0x3F95] =	sst s1;
	(tag) =	ssettag s2;
	_ =	strace s9  }
0x27: {  	s1 =	sld [smem:$0x3FA5]  }
0x28: {  	s2 =	sld [smem:$0x3FA6]  }
0x29: {  	s4 =	sld [smem:$0x3FA8]  }
0x2a: {  	p0 =	seq.s32 s5, $0x0;
	s5 =	sld [smem:$0x3FA9]  }
0x2b: {  	s6 =	sld [smem:$0x3FAA]  }
0x2c: {  	s7 =	sld [smem:$0x3FAB]  }
0x2d: {  	s3 =	simm.s32 $0x108;
	s8 =	sld [smem:$0x3FAC]  }
0x2e: {  	s3 =	simm.s32 @!p0 $0x1082;
	s9 =	sld [smem:$0x3FAD]  }
0x2f: {  	lr =	sadd.s32 s0, s3;
	s0 =	sld [smem:$0x3FA4]  }
0x30: {  	s3 =	sld [smem:$0x3FA7]  }
0x31: {  	[smem:$0x3FB0] =	sst s10  }
0x32: {  	s10 =	sld [smem:$0x3FAE];
	_ =	sdelay $0x3  }
0x33: {  	p0 =	seq.s32 s10, $0x1;
	s10 =	sld [smem:$0x3FB0];
	_ =	sdelay $0x3  }
0x34: {  	[smem:$0x3FB0] =	sst s10  }
0x35: {  	s10 =	sld [smem:$0x3FAF];
	_ =	sdelay $0x3  }
0x36: {  	p1 =	seq.s32 s10, $0x1;
	s10 =	sld [smem:$0x3FB0];
	_ =	sdelay $0x3  }
0x37: {  	[smem:$0x3FB0] =	sst s10  }
0x38: {  	s10 =	sld [smem:$0x3FB1]  }
0x39: {  	_ = 	snop;
	(pc) =	sbr.ind lr, $3  }
0x3a: {  	_ = 	snop  }
0x3b: {  	_ = 	snop  }
0x3c: {  	p2 =	seq.s32 s10, $0x1;
	s10 =	sld [smem:$0x3FB0]  }
0x3d: {  	_ =	shalt  }
0x3e: {  	_ =	shalt  }
0x3f: {  	_ =	shalt  }
0x40: {  	_ =	shalt  }
0x41: {  	_ =	shalt  }
0x42: {  	_ =	shalt  }
0x43: {  	_ =	shalt  }
0x44: {  	_ =	shalt  }
0x45: {  	_ =	shalt  }
0x46: {  	_ =	shalt  }
0x47: {  	_ =	shalt  }
0x48: {  	_ =	shalt  }
0x49: {  	_ =	shalt  }
0x4a: {  	_ =	shalt  }
0x4b: {  	_ =	shalt  }
0x4c: {  	_ =	shalt  }
0x4d: {  	_ =	shalt  }
0x4e: {  	_ =	shalt  }
0x4f: {  	_ =	shalt  }
0x50: {  	_ =	shalt  }
0x51: {  	_ =	shalt  }
0x52: {  	_ =	shalt  }
0x53: {  	_ =	shalt  }
0x54: {  	_ =	shalt  }
0x55: {  	_ =	shalt  }
0x56: {  	_ =	shalt  }
0x57: {  	_ =	shalt  }
0x58: {  	_ =	shalt  }
0x59: {  	_ =	shalt  }
0x5a: {  	_ =	shalt  }
0x5b: {  	_ =	shalt  }
0x5c: {  	_ =	shalt  }
0x5d: {  	_ =	shalt  }
0x5e: {  	_ =	shalt  }
0x5f: {  	_ =	shalt  }
0x60: {  	_ =	shalt  }
0x61: {  	_ =	shalt  }
0x62: {  	_ =	shalt  }
0x63: {  	_ =	shalt  }
0x64: {  	_ =	shalt  }
0x65: {  	_ =	shalt  }
0x66: {  	_ =	shalt  }
0x67: {  	_ =	shalt  }
0x68: {  	_ =	shalt  }
0x69: {  	_ =	shalt  }
0x6a: {  	_ =	shalt  }
0x6b: {  	_ =	shalt  }
0x6c: {  	_ =	shalt  }
0x6d: {  	_ =	shalt  }
0x6e: {  	_ =	shalt  }
0x6f: {  	_ =	shalt  }
0x70: {  	_ =	shalt  }
0x71: {  	_ =	shalt  }
0x72: {  	_ =	shalt  }
0x73: {  	_ =	shalt  }
0x74: {  	_ =	shalt  }
0x75: {  	_ =	shalt  }
0x76: {  	_ =	shalt  }
0x77: {  	_ =	shalt  }
0x78: {  	_ =	shalt  }
0x79: {  	_ =	shalt  }
0x7a: {  	_ =	shalt  }
0x7b: {  	_ =	shalt  }
0x7c: {  	_ =	shalt  }
0x7d: {  	_ =	shalt  }
0x7e: {  	_ =	shalt  }
0x7f: {  	_ =	shalt  }
0x80: {  	_ =	shalt  }
0x81: {  	_ =	shalt  }
0x82: {  	_ =	shalt  }
0x83: {  	_ =	shalt  }
0x84: {  	_ =	shalt  }
0x85: {  	_ =	shalt  }
0x86: {  	_ =	shalt  }
0x87: {  	_ =	shalt  }
.Lfunc_end0:
.L_simem_size_0:
called_computation.2_lowered:
.L_overlay_start_0:
0x88: {  	s2 =	sld [smem:$0x3FD9]  }
0x89: {  	s3 =	sld [smem:$0x3FFE];
	_ =	sdelay $0x1  }
0x8a: {  	s1 =	srdreg.scid  }
0x8b: {  	s0 =	sand.u32 $0x1, s1  }
0x8c: {  	s17 =	sshll.u32 s0, $0xA;
	s2 =	sadd.s32 s3, s2  }
0x8d: {  	s2 =	sadd.s32 s2, s17  }
0x8e: {  	[smem:$0x3FBC] =	sst s2  }
0x8f: {  	_ = 	snop  }
0x90: {  	s2 =	sld [smem:$0x3FD0];
	(tm) =	ssettm $0x1  }
0x91: {  	s18 =	sld [smem:$0x3FFB];
	_ =	sdelay $0x3  }
0x92: {  	_ =	strace s18  }
0x93: {  	s3 =	sld [smem:$0x3FFC];
	_ =	sdelay $0x3  }
0x94: {  	_ =	strace s3  }
0x95: {  	s3 =	sld [smem:$0x3FFD];
	_ =	sdelay $0x3  }
0x96: {  	_ =	strace s3  }
0x97: {  	_ =	strace $0x8FFFFFFF  }
0x98: {  	s19 =	sld [smem:$0x3FDB];
	_ =	sdelay $0x1  }
0x99: {  	s4 =	simm.s32 $_scs_section_size  }
0x9a: {  	s5 =	simm.s32 $_size__tile_overlayer_lowered;
	s6 =	simm.s32 $_tile_overlayer_lowered  }
0x9b: {  	s22 =	simm.s32 $0x1BFF;
	s21 =	sshll.u32 s6, $0x1;
	s3 =	sadd.s32 s4, s19  }
0x9c: {  	s7 =	simm.s32 $0x0;
	s20 =	sshll.u32 s5, $0x1;
	s5 =	sadd.s32 s21, s3  }
0x9d: {  	[timem:s7], [sflag:s22] =	dma.local [hbm:s5], s20  }
0x9e: {  	_ =	swait.ge [sflag:s22], s20  }
0x9f: {  	s4 =	ssub.s32 $0x0, s20;
	[sflag:s22] =	ssyncset.done $0x0  }
0xa0: {  	[sflag:s22] =	ssyncadd.s32 s4;
	_ =	sdelay $0x1  }
0xa1: {  	s23 =	simm.s32 $0x1B8B  }
0xa2: {  	_ =	swait.ge [sflag:s23], $0x1  }
0xa3: {  	[sflag:s23] =	ssyncset.done $0x0  }
0xa4: {  	s25 =	simm.s32 $0x1B8E;
	s24 =	sld [smem:$0x3FFE];
	[sflag:s23] =	ssyncadd.s32 $0xFFFFFFFF  }
0xa5: {  	s26 =	simm.s32 $execute0_lowered;
	[smem:$0x3FD2] =	sst s25  }
0xa6: {  	s5 =	sshll.u32 s26, $0x1;
	_ =	strace $0x8000004C;
	[dreg:$0x1] =	wrdreg $0xFFFFFFFF  }
0xa7: {  	s28 =	simm.s32 $_size_execute0_lowered;
	s3 =	sadd.s32 s3, s5;
	[dreg:$0x0] =	wrdreg $0x0  }
0xa8: {  	s5 =	sshll.u32 s28, $0x1;
	[dreg:$0x2] =	wrdreg s3  }
0xa9: {  	[dreg:$0x3] =	wrdreg s5  }
0xaa: {  	[dreg:$0x4] =	wrdreg $0xC0  }
0xab: {  	_ =	task [dreg:s7], $0x5FFFF  }
0xac: {  	[dreg:$0x1] =	wrdreg $0xFFFFFFFF  }
0xad: {  	[dreg:$0x0] =	wrdreg $0x60  }
0xae: {  	[dreg:$0x2] =	wrdreg s2  }
0xaf: {  	[dreg:$0x3] =	wrdreg s24  }
0xb0: {  	[dreg:$0x4] =	wrdreg $0xB0000  }
0xb1: {  	[dreg:$0x5] =	wrdreg $0x9  }
0xb2: {  	_ =	task.clear_ibuf [dreg:s7], $0x6FFFF;
	_ =	strace $0x9000004C  }
0xb3: {  	s29 =	simm.s32 $0x9;
	_ =	strace $0x8000004E  }
0xb4: {  	_ =	swait.ge [sflag:s29], $0x1  }
0xb5: {  	[sflag:s29] =	ssyncadd.s32 $0xFFFFFFFF  }
0xb6: {  	_ =	strace $0x9000004E  }
0xb7: {  	_ =	sfence  }
0xb8: {  	s30 =	sld [smem:$0x0];
	_ =	sdelay $0x2  }
0xb9: {  	s31 =	sshll.u32 s1, $0xD;
	s1 =	sshrl.u32 s1, $0x2  }
0xba: {  	s3 =	sand.u32 $0x4000, s31;
	s1 =	sadd.s32 s1, s30  }
0xbb: {  	s0 =	sor.u32 s3, s0;
	s1 =	sshll.u32 s1, $0x11  }
0xbc: {  	s0 =	sor.u32 s1, s0  }
0xbd: {  	s0 =	sadd.s32 $0x8F2B, s0  }
0xbe: {  	[sflag:s0] =	ssyncadd.remote.s32 $0x1  }
0xbf: {  	_ =	sfence.sel $0xFFFF  }
0xc0: {  	[dreg:$0x0] =	wrdreg $0xFFFFFFFF;
	(pc) =	sbr.abs _section_cstart, $3  }
0xc1: {  	[dreg:$0x1] =	wrdreg $0xFFFFFFFF  }
0xc2: {  	_ =	task.clear_ibuf [dreg:s7], $0x2FFFF;
	_ =	strace $0x9FFFFFFF  }
0xc3: {  	(tm) =	ssettm $0x7FFFFFFF  }
tec
execute0_lowered:
.L_overlay_start_1:
0x0: {  	(tag) =	ssettag $0x1  }
0x1: {  	s0 =	rddreg [dreg:$0x0]  }
0x2: {  	s5 =	rddreg [dreg:$0x1]  }
0x3: {  	s1 =	srdreg.scid;
	s2 =	stileid.u32  }
0x4: {  	s3 =	rddreg [dreg:$0x2];
	s4 =	simm.s32 $0x0;
	s18 =	simm.s32 $0x7D  }
0x5: {  	s19 =	simm.s32 $0x80;
	s20 =	simm.s32 $0x7000;
	s21 =	simm.s32 $0x3  }
0x6: {  	s22 =	simm.s32 $0x4;
	s23 =	simm.s32 $0x1;
	s26 =	simm.s32 $0x2  }
0x7: {  	s10 =	sand.u32 $0x1, s1;
	s6 =	sshll.u32 s2, $0x1;
	s7 =	smul.u32 $0x4E200, s2  }
0x8: {  	[smem:$0x7FF] =	sst s4;
	s13 =	sadd.s32 $0x16800, s5;
	s12 =	smul.u32 $0x4E000, s2  }
0x9: {  	s16 =	smul.u32 $0x2700, s2;
	s25 =	sadd.s32 $0x138000, s3;
	p0 =	sne.s32 s2, $0x0  }
0xa: {  	s6 =	sor.u32 s10, s6;
	_ =	strace $0x8000004D;
	s15 =	smul.u32 $0x27100, s10  }
0xb: {  	s28 =	ssub.s32 $0x2, s10;
	s17 =	smul.u32 $0x138800, s10;
	s25 =	sshrl.u32 @!p0 s25, $0x3  }
0xc: {  	s6 =	smul.u32 $0x500, s6;
	s29 =	sshrl.u32 s28, $0x1;
	s12 =	sshrl.u32 s12, $0x2  }
0xd: {  	s7 =	sshrl.u32 s7, $0x2;
	s14 =	ssub.s32 s28, s29;
	s24 =	sadd.s32 s12, s3  }
0xe: {  	s30 =	sadd.s32 s16, s15;
	s31 =	sshrl.u32 s17, $0x3;
	s15 =	simm.s32 $0x3000  }
0xf: {  	s16 =	simm.s32 $0x5;
	s17 =	simm.s32 $0x800;
	s11 =	sadd.s32 s6, s5  }
0x10: {  	s5 =	sadd.s32 s7, s3;
	s12 =	sadd.s32 s13, s30;
	s13 =	sadd.s32 s13, s31  }
0x11: {  	s14 =	smax.u32 s14, $0x1;
	s24 =	sshrl.u32 s24, $0x3;
	s6 =	sadd.s32 $0x3E80, s5  }
0x12: {  	s7 =	sadd.s32 $0x7D00, s5;
	s8 =	sadd.s32 $0xBB80, s5;
	s9 =	sadd.s32 $0xFA00, s5  }
0x13: {  	v0 =	vimm.f32 $0.0e+00;
	s10 =	sadd.s32 $0x2800, s11;
	s11 =	sadd.s32 $0xC800, s11;
	s13 =	sadd.s32 $0x27000, s13  }
.LBB2_1:
0x14: {  	s28 =	simm.s32 $0x0;
	s29 =	simm.s32 $0x200  }
.LBB2_2:
0x15: {  	p1 =	sne.s32 s29, $0xF800;
	[tilespmem:s28+$0x3070] =	vst v0  }
0x16: {  	[tilespmem:s28+$0x3000] =	vst v0  }
0x17: {  	[tilespmem:s28+$0x3010] =	vst v0  }
.Ltmp0:
0x18: {  	[tilespmem:s28+$0x3020] =	vst v0;
	(pc) =	sbr.rel @p1 .LBB2_2-.Ltmp0, $4  }
0x19: {  	[tilespmem:s28+$0x3030] =	vst v0  }
0x1a: {  	[tilespmem:s28+$0x3040] =	vst v0  }
0x1b: {  	[tilespmem:s28+$0x3050] =	vst v0  }
0x1c: {  	[tilespmem:s28+$0x3060] =	vst v0;
	s28 =	sshra.s32 s29, $0x2;
	s29 =	sadd.s32 $0x200, s29  }
0x1d: {  	[tilespmem:s28+$0x3070] =	vst v0  }
0x1e: {  	[tilespmem:s28+$0x3000] =	vst v0  }
0x1f: {  	[tilespmem:s28+$0x3010] =	vst v0  }
0x20: {  	[tilespmem:s28+$0x3020] =	vst v0  }
0x21: {  	[tilespmem:s28+$0x3030] =	vst v0  }
0x22: {  	[tilespmem:s28+$0x3040] =	vst v0  }
0x23: {  	[tilespmem:s28+$0x3050] =	vst v0  }
0x24: {  	[tilespmem:s28+$0x3060] =	vst v0  }
0x25: {  	[spmem:s5] =	stream.linear.scatter [tilespmem:s15], [sflag:$0x5], $0x3E80, $0x38;
	[tilespmem:$0x1E880] =	vst v63  }
0x26: {  	_ =	swait.ge [sflag:s16], $0x3E80  }
0x27: {  	[sflag:s16] =	ssyncset.done $0x0  }
0x28: {  	[sflag:s16] =	ssyncadd.s32 $0xFFFFC180  }
0x29: {  	[spmem:s6] =	stream.linear.scatter [tilespmem:s15], [sflag:$0x5], $0x3E80, $0x38;
	[tilespmem:$0x1E880] =	vst v63  }
0x2a: {  	_ =	swait.ge [sflag:s16], $0x3E80  }
0x2b: {  	[sflag:s16] =	ssyncset.done $0x0  }
0x2c: {  	[sflag:s16] =	ssyncadd.s32 $0xFFFFC180  }
0x2d: {  	[spmem:s7] =	stream.linear.scatter [tilespmem:s15], [sflag:$0x5], $0x3E80, $0x38;
	[tilespmem:$0x1E880] =	vst v63  }
0x2e: {  	_ =	swait.ge [sflag:s16], $0x3E80  }
0x2f: {  	[sflag:s16] =	ssyncset.done $0x0  }
0x30: {  	[sflag:s16] =	ssyncadd.s32 $0xFFFFC180  }
0x31: {  	[spmem:s8] =	stream.linear.scatter [tilespmem:s15], [sflag:$0x5], $0x3E80, $0x38;
	[tilespmem:$0x1E880] =	vst v63  }
0x32: {  	_ =	swait.ge [sflag:s16], $0x3E80  }
0x33: {  	[sflag:s16] =	ssyncset.done $0x0  }
0x34: {  	[sflag:s16] =	ssyncadd.s32 $0xFFFFC180  }
0x35: {  	[spmem:s9] =	stream.linear.scatter [tilespmem:s15], [sflag:$0x5], $0x3E80, $0x38;
	[tilespmem:$0x1E880] =	vst v63  }
0x36: {  	_ =	swait.ge [sflag:s16], $0x3E80  }
0x37: {  	[sflag:s16] =	ssyncset.done $0x0  }
0x38: {  	[sflag:s16] =	ssyncadd.s32 $0xFFFFC180  }
0x39: {  	s28 =	simm.s32 $0x0;
	[bflag:$0x0] =	sbarrier.arrive $0xFFFF  }
0x3a: {  	[tilespmem:s17], [sflag:$0x5] =	stream.linear.gather [hbm4b:s10+s28], $0x2800, $0x38;
	[tilespmem:$0x1E880] =	vst v63  }
0x3b: {  	_ =	swait.ge [sflag:s16], $0x2800  }
0x3c: {  	[sflag:s16] =	ssyncset.done $0x0  }
0x3d: {  	[sflag:s16] =	ssyncadd.s32 $0xFFFFD800  }
0x3e: {  	[tilespmem:s28], [sflag:$0x5] =	stream.linear.gather [hbm4b:s11+s28], $0x800, $0x38;
	[tilespmem:$0x1E880] =	vst v63  }
0x3f: {  	_ =	swait.ge [sflag:s16], $0x800  }
0x40: {  	[sflag:s16] =	ssyncset.done $0x0  }
0x41: {  	[sflag:s16] =	ssyncadd.s32 $0xFFFFF800  }
0x42: {  	[tilespmem:s15], [sflag:$0x1] =	stream.indirect.gather [hbm4b:s0+s18], $0x80, s28, s18, $0xb8;
	[tilespmem:$0x1E880] =	vst v63  }
0x43: {  	_ = 	snop  }
0x44: {  	[tilespmem:s20], [sflag:$0x2] =	stream.indirect.gather [hbm4b:s0+s18], $0x80, s19, s18, $0xb8;
	[tilespmem:$0x1E880] =	vst v63  }
0x45: {  	s28 =	simm.s32 $0x800  }
0x46: {  	[spmem:s3] =	stream.indirect.scatter.add.f32 [tilespmem:s15], [sflag:$0x3], $0x80, s28, s18, $0xb8;
	[tilespmem:$0x1E880] =	vst v63  }
0x47: {  	_ =	swait.ge [sflag:s21], $0x3E80  }
0x48: {  	[sflag:s21] =	ssyncset.done $0x0  }
0x49: {  	s28 =	simm.s32 $0x880;
	[sflag:s21] =	ssyncadd.s32 $0xFFFFC180  }
0x4a: {  	[spmem:s3] =	stream.indirect.scatter.add.f32 [tilespmem:s20], [sflag:$0x4], $0x80, s28, s18, $0xb8;
	[tilespmem:$0x1E880] =	vst v63  }
0x4b: {  	_ =	swait.ge [sflag:s22], $0x3E80  }
0x4c: {  	s29 =	simm.s32 $0x800;
	s28 =	simm.s32 $0x100;
	[sflag:s22] =	ssyncset.done $0x0  }
.LBB2_4:
0x4d: {  	s30 =	sadd.s32 $0x800, s28  }
0x4e: {  	[sflag:s22] =	ssyncadd.s32 $0xFFFFC180;
	s31 =	smov.u32 s29;
	s1 =	sadd.s32 $0x400, s29  }
0x4f: {  	[spmem:s3] =	stream.indirect.scatter.add.f32 [tilespmem:s15], [sflag:$0x3], $0x80, s30, s18, $0xb8;
	[tilespmem:$0x1E880] =	vst v63  }
0x50: {  	p1 =	sne.s32 s29, $0x9C00;
	_ =	swait.ge [sflag:s21], $0x3E80  }
.Ltmp1:
0x51: {  	[sflag:s21] =	ssyncset.done $0x0;
	(pc) =	sbr.rel @p1 .LBB2_4-.Ltmp1, $4  }
0x52: {  	s28 =	sadd.s32 $0x880, s28;
	[sflag:s21] =	ssyncadd.s32 $0xFFFFC180  }
0x53: {  	[spmem:s3] =	stream.indirect.scatter.add.f32 [tilespmem:s20], [sflag:$0x4], $0x80, s28, s18, $0xb8;
	[tilespmem:$0x1E880] =	vst v63  }
0x54: {  	_ =	swait.ge [sflag:s22], $0x3E80  }
0x55: {  	s29 =	smov.u32 s1;
	s28 =	sshra.s32 s31, $0x2;
	[sflag:s22] =	ssyncset.done $0x0  }
0x56: {  	s1 =	sadd.s32 $0x800, s28;
	[sflag:s22] =	ssyncadd.s32 $0xFFFFC180  }
0x57: {  	[spmem:s3] =	stream.indirect.scatter.add.f32 [tilespmem:s15], [sflag:$0x3], $0x80, s1, s18, $0xb8;
	[tilespmem:$0x1E880] =	vst v63  }
0x58: {  	_ =	swait.ge [sflag:s21], $0x3E80  }
0x59: {  	[sflag:s21] =	ssyncset.done $0x0  }
0x5a: {  	s30 =	sadd.s32 $0x880, s28;
	[sflag:s21] =	ssyncadd.s32 $0xFFFFC180  }
0x5b: {  	[spmem:s3] =	stream.indirect.scatter.add.f32 [tilespmem:s20], [sflag:$0x4], $0x80, s30, s18, $0xb8;
	[tilespmem:$0x1E880] =	vst v63  }
0x5c: {  	_ =	swait.ge [sflag:s22], $0x3E80  }
0x5d: {  	[sflag:s22] =	ssyncset.done $0x0  }
0x5e: {  	[sflag:s22] =	ssyncadd.s32 $0xFFFFC180  }
0x5f: {  	_ =	swait.ge [sflag:s23], $0x3E80  }
0x60: {  	[sflag:s23] =	ssyncset.done $0x0  }
0x61: {  	[sflag:s23] =	ssyncadd.s32 $0xFFFFC180  }
0x62: {  	_ =	swait.ge [sflag:s26], $0x3E80  }
0x63: {  	[sflag:s26] =	ssyncset.done $0x0  }
0x64: {  	s31 =	sshll.u32 s2, $0x6;
	[sflag:s26] =	ssyncadd.s32 $0xFFFFC180  }
0x65: {  	s1 =	sor.u32 $0x1C05, s31;
	[bflag:$0x0] =	sbarrier.arrive $0xFFFF  }
0x66: {  	[hbm:s12], [sflag:s1] =	dma.local [spmem:s24], $0x2700  }
0x67: {  	_ =	swait.ge [sflag:s16], $0x2700  }
0x68: {  	s4 =	sadd.s32 $0x1, s4;
	[sflag:s16] =	ssyncset.done $0x0  }
0x69: {  	p1 =	sne.s32 s4, s14;
	[sflag:s16] =	ssyncadd.s32 $0xFFFFD900  }
0x6a: {  	[hbm:s13], [sflag:s1] =	dma.local @!p0 [spmem:s25], $0x100  }
.Ltmp2:
0x6b: {  	_ = 	snop;
	(pc) =	sbr.rel @p1 .LBB2_1-.Ltmp2, $4  }
0x6c: {  	s1 =	simm.s32 @!p0 $0x5  }
0x6d: {  	_ =	swait.ge @!p0 [sflag:s1], $0x100  }
0x6e: {  	[sflag:s1] =	ssyncset.done @!p0 $0x0  }
0x6f: {  	[sflag:s1] =	ssyncadd.s32 @!p0 $0xFFFFFF00  }
0x70: {  	_ =	sfence.sel $0x180000  }
0x71: {  	[bflag:$0x0] =	sbarrier.arrive $0xFFFF  }
0x72: {  	_ =	strace $0x9000004D  }
0x73: {  	[bflag:$0x2] =	sbarrier.arrive $0xFFFF  }
0x74: {  	s0 =	rddreg [dreg:$0x3]  }
0x75: {  	s0 =	sadd.s32 @!p0 $0x100000, s0  }
0x76: {  	[sflag:s0] =	ssyncadd.tile.s32 @!p0 $0x1;
	_ =	shalt  }
.Lfunc_end2:
_tile_overlayer_lowered:
.L_overlay_start_2:
0x77: {  	(tag) =	ssettag $0x2  }
0x78: {  	s0 =	rddreg [dreg:$0x0];
	s2 =	stileid.u32  }
0x79: {  	s1 =	rddreg [dreg:$0x1];
	p0 =	sne.s32 s2, $0x0  }
0x7a: {  	s3 =	rddreg [dreg:$0x2];
	[bflag:$0x3] =	sbarrier.arrive $0xFFFF;
	s2 =	simm.s32 @!p0 $0x1C05  }
0x7b: {  	[timem:s3], [sflag:s2] =	dma.local @!p0 [hbm:s0], s1  }
0x7c: {  	s0 =	simm.s32 @!p0 $0x5  }
0x7d: {  	_ =	swait.ge @!p0 [sflag:s0], s1  }
0x7e: {  	s1 =	ssub.s32 @!p0 $0x0, s1;
	[sflag:s0] =	ssyncset.done @!p0 $0x0  }
0x7f: {  	[sflag:s0] =	ssyncadd.s32 @!p0 s1  }
0x80: {  	[bflag:$0x3] =	sbarrier.arrive $0xFFFF  }
0x81: {  	_ =	shalt  }

// kernel: kernel.8.cloned.1.call-start
scs
__scs_entry_jumppad:
0x0: {  	(pc) =	sbr.rel $0x88, $3  }
0x1: {  	(tag) =	ssettag $0x0;
	lr =	simm.s32 $0x1  }
0x2: {  	[smem:$0x3F95] =	sst lr;
	_ =	strace $0xD0000000  }
0x3: {  	_ = 	snop  }
0x4: {  	_ = 	snop  }
0x5: {  	_ = 	snop  }
0x6: {  	_ = 	snop  }
0x7: {  	_ = 	snop  }
__scs_overlays_trampoline_lowered:
0x8: {  	[smem:$0x3FA4] =	sst s0  }
0x9: {  	[smem:$0x3FA5] =	sst s1  }
0xa: {  	[smem:$0x3FA6] =	sst s2  }
0xb: {  	[smem:$0x3FA7] =	sst s3  }
0xc: {  	[smem:$0x3FA8] =	sst s4  }
0xd: {  	[smem:$0x3FA9] =	sst s5  }
0xe: {  	[smem:$0x3FAA] =	sst s6  }
0xf: {  	[smem:$0x3FAB] =	sst s7  }
0x10: {  	[smem:$0x3FAC] =	sst s8  }
0x11: {  	[smem:$0x3FAD] =	sst s9;
	s0 =	simm.s32 @!p0 $0x0  }
0x12: {  	s1 =	sld [smem:$0x3F93];
	s0 =	simm.s32 @p0 $0x1  }
0x13: {  	[smem:$0x3FAE] =	sst s0;
	s0 =	simm.s32 @!p1 $0x0  }
0x14: {  	s2 =	sld [smem:$0x3F92];
	s0 =	simm.s32 @p1 $0x1  }
0x15: {  	[smem:$0x3FAF] =	sst s0;
	s0 =	simm.s32 @!p2 $0x0  }
0x16: {  	s3 =	sld [smem:$0x3FDB];
	s0 =	simm.s32 @p2 $0x1  }
0x17: {  	s4 =	simm.s32 $0x1BF5;
	[smem:$0x3FB1] =	sst s0  }
0x18: {  	s0 =	sld [smem:$0x3F94];
	_ =	swait.ge [sflag:s4], $0x0  }
0x19: {  	s7 =	sld [smem:$0x3F95]  }
0x1a: {  	s8 =	sadd.s32 $0xFFFFE003, lr  }
0x1b: {  	s9 =	sadd.s32 $0xFFFFFEF7, lr;
	s5 =	simm.s32 $0xFFFFFFFF;
	p2 =	slt.u32 s8, $0xFFFFF086  }
0x1c: {  	p1 =	slt.u32 s9, $0xF7A;
	s5 =	simm.s32 @!p2 $0x0  }
0x1d: {  	s5 =	simm.s32 @p1 $0x1;
	p0 =	seq.s32 s7, s2  }
0x1e: {  	s7 =	smul.u32 @!p0 $0xF7A, s2;
	p2 =	seq.s32 @!p0 s5, $0x0  }
0x1f: {  	s9 =	smul.u32 $0xF7A, s1;
	s8 =	simm.s32 @!p0 $0x1BF5;
	p2 =	por !p2, p0  }
0x20: {  	[sflag:s8] =	ssyncset.s32 @!p0 $0xFFFFF086;
	s6 =	sadd.s32 @!p0 s3, s7;
	s7 =	simm.s32 @!p0 $0x108  }
0x21: {  	s3 =	sadd.s32 s3, s9;
	s6 =	sadd.s32 @!p0 $0x88, s6;
	s7 =	simm.s32 @p2 $0x1082  }
0x22: {  	[simem:s7], [sflag:s8] =	dma.local @!p0 [hbm:s6], $0xF7A  }
0x23: {  	s9 =	sor.u32 $0xD0000000, s2;
	s6 =	simm.s32 $0x108;
	_ =	swait.ge @!p0 [sflag:s8], $0x0  }
0x24: {  	s3 =	sadd.s32 $0x88, s3;
	s6 =	simm.s32 @!p1 $0x1082;
	[sflag:s4] =	ssyncset.s32 $0xFFFFF086  }
0x25: {  	[simem:s6], [sflag:s4] =	dma.local [hbm:s3], $0xF7A  }
0x26: {  	[smem:$0x3F95] =	sst s1;
	(tag) =	ssettag s2;
	_ =	strace s9  }
0x27: {  	s1 =	sld [smem:$0x3FA5]  }
0x28: {  	s2 =	sld [smem:$0x3FA6]  }
0x29: {  	s4 =	sld [smem:$0x3FA8]  }
0x2a: {  	p0 =	seq.s32 s5, $0x0;
	s5 =	sld [smem:$0x3FA9]  }
0x2b: {  	s6 =	sld [smem:$0x3FAA]  }
0x2c: {  	s7 =	sld [smem:$0x3FAB]  }
0x2d: {  	s3 =	simm.s32 $0x108;
	s8 =	sld [smem:$0x3FAC]  }
0x2e: {  	s3 =	simm.s32 @!p0 $0x1082;
	s9 =	sld [smem:$0x3FAD]  }
0x2f: {  	lr =	sadd.s32 s0, s3;
	s0 =	sld [smem:$0x3FA4]  }
0x30: {  	s3 =	sld [smem:$0x3FA7]  }
0x31: {  	[smem:$0x3FB0] =	sst s10  }
0x32: {  	s10 =	sld [smem:$0x3FAE];
	_ =	sdelay $0x3  }
0x33: {  	p0 =	seq.s32 s10, $0x1;
	s10 =	sld [smem:$0x3FB0];
	_ =	sdelay $0x3  }
0x34: {  	[smem:$0x3FB0] =	sst s10  }
0x35: {  	s10 =	sld [smem:$0x3FAF];
	_ =	sdelay $0x3  }
0x36: {  	p1 =	seq.s32 s10, $0x1;
	s10 =	sld [smem:$0x3FB0];
	_ =	sdelay $0x3  }
0x37: {  	[smem:$0x3FB0] =	sst s10  }
0x38: {  	s10 =	sld [smem:$0x3FB1]  }
0x39: {  	_ = 	snop;
	(pc) =	sbr.ind lr, $3  }
0x3a: {  	_ = 	snop  }
0x3b: {  	_ = 	snop  }
0x3c: {  	p2 =	seq.s32 s10, $0x1;
	s10 =	sld [smem:$0x3FB0]  }
0x3d: {  	_ =	shalt  }
0x3e: {  	_ =	shalt  }
0x3f: {  	_ =	shalt  }
0x40: {  	_ =	shalt  }
0x41: {  	_ =	shalt  }
0x42: {  	_ =	shalt  }
0x43: {  	_ =	shalt  }
0x44: {  	_ =	shalt  }
0x45: {  	_ =	shalt  }
0x46: {  	_ =	shalt  }
0x47: {  	_ =	shalt  }
0x48: {  	_ =	shalt  }
0x49: {  	_ =	shalt  }
0x4a: {  	_ =	shalt  }
0x4b: {  	_ =	shalt  }
0x4c: {  	_ =	shalt  }
0x4d: {  	_ =	shalt  }
0x4e: {  	_ =	shalt  }
0x4f: {  	_ =	shalt  }
0x50: {  	_ =	shalt  }
0x51: {  	_ =	shalt  }
0x52: {  	_ =	shalt  }
0x53: {  	_ =	shalt  }
0x54: {  	_ =	shalt  }
0x55: {  	_ =	shalt  }
0x56: {  	_ =	shalt  }
0x57: {  	_ =	shalt  }
0x58: {  	_ =	shalt  }
0x59: {  	_ =	shalt  }
0x5a: {  	_ =	shalt  }
0x5b: {  	_ =	shalt  }
0x5c: {  	_ =	shalt  }
0x5d: {  	_ =	shalt  }
0x5e: {  	_ =	shalt  }
0x5f: {  	_ =	shalt  }
0x60: {  	_ =	shalt  }
0x61: {  	_ =	shalt  }
0x62: {  	_ =	shalt  }
0x63: {  	_ =	shalt  }
0x64: {  	_ =	shalt  }
0x65: {  	_ =	shalt  }
0x66: {  	_ =	shalt  }
0x67: {  	_ =	shalt  }
0x68: {  	_ =	shalt  }
0x69: {  	_ =	shalt  }
0x6a: {  	_ =	shalt  }
0x6b: {  	_ =	shalt  }
0x6c: {  	_ =	shalt  }
0x6d: {  	_ =	shalt  }
0x6e: {  	_ =	shalt  }
0x6f: {  	_ =	shalt  }
0x70: {  	_ =	shalt  }
0x71: {  	_ =	shalt  }
0x72: {  	_ =	shalt  }
0x73: {  	_ =	shalt  }
0x74: {  	_ =	shalt  }
0x75: {  	_ =	shalt  }
0x76: {  	_ =	shalt  }
0x77: {  	_ =	shalt  }
0x78: {  	_ =	shalt  }
0x79: {  	_ =	shalt  }
0x7a: {  	_ =	shalt  }
0x7b: {  	_ =	shalt  }
0x7c: {  	_ =	shalt  }
0x7d: {  	_ =	shalt  }
0x7e: {  	_ =	shalt  }
0x7f: {  	_ =	shalt  }
0x80: {  	_ =	shalt  }
0x81: {  	_ =	shalt  }
0x82: {  	_ =	shalt  }
0x83: {  	_ =	shalt  }
0x84: {  	_ =	shalt  }
0x85: {  	_ =	shalt  }
0x86: {  	_ =	shalt  }
0x87: {  	_ =	shalt  }
.Lfunc_end0:
.L_simem_size_0:
called_computation_lowered:
.L_overlay_start_0:
0x88: {  	s2 =	sld [smem:$0x3FD9]  }
0x89: {  	s3 =	sld [smem:$0x3FFE];
	_ =	sdelay $0x1  }
0x8a: {  	s1 =	srdreg.scid  }
0x8b: {  	s0 =	sand.u32 $0x1, s1  }
0x8c: {  	s17 =	sshll.u32 s0, $0xA;
	s2 =	sadd.s32 s3, s2  }
0x8d: {  	s2 =	sadd.s32 s2, s17  }
0x8e: {  	[smem:$0x3FBC] =	sst s2  }
0x8f: {  	_ = 	snop  }
0x90: {  	s2 =	sld [smem:$0x3FD0];
	(tm) =	ssettm $0x1  }
0x91: {  	s18 =	sld [smem:$0x3FFB];
	_ =	sdelay $0x3  }
0x92: {  	_ =	strace s18  }
0x93: {  	s3 =	sld [smem:$0x3FFC];
	_ =	sdelay $0x3  }
0x94: {  	_ =	strace s3  }
0x95: {  	s3 =	sld [smem:$0x3FFD];
	_ =	sdelay $0x3  }
0x96: {  	_ =	strace s3  }
0x97: {  	_ =	strace $0x8FFFFFFF  }
0x98: {  	s19 =	sld [smem:$0x3FDB];
	_ =	sdelay $0x1  }
0x99: {  	s4 =	simm.s32 $_scs_section_size  }
0x9a: {  	s5 =	simm.s32 $_size__tile_overlayer_lowered;
	s6 =	simm.s32 $_tile_overlayer_lowered  }
0x9b: {  	s22 =	simm.s32 $0x1BFF;
	s21 =	sshll.u32 s6, $0x1;
	s3 =	sadd.s32 s4, s19  }
0x9c: {  	s7 =	simm.s32 $0x0;
	s20 =	sshll.u32 s5, $0x1;
	s5 =	sadd.s32 s21, s3  }
0x9d: {  	[timem:s7], [sflag:s22] =	dma.local [hbm:s5], s20  }
0x9e: {  	_ =	swait.ge [sflag:s22], s20  }
0x9f: {  	s4 =	ssub.s32 $0x0, s20;
	[sflag:s22] =	ssyncset.done $0x0  }
0xa0: {  	[sflag:s22] =	ssyncadd.s32 s4;
	_ =	sdelay $0x1  }
0xa1: {  	s23 =	simm.s32 $0x1B8B  }
0xa2: {  	_ =	swait.ge [sflag:s23], $0x1  }
0xa3: {  	[sflag:s23] =	ssyncset.done $0x0  }
0xa4: {  	s25 =	simm.s32 $0x1B8E;
	s24 =	sld [smem:$0x3FFE];
	[sflag:s23] =	ssyncadd.s32 $0xFFFFFFFF  }
0xa5: {  	s26 =	simm.s32 $execute0_lowered;
	[smem:$0x3FD2] =	sst s25  }
0xa6: {  	s5 =	sshll.u32 s26, $0x1;
	_ =	strace $0x80000046;
	[dreg:$0x1] =	wrdreg $0xFFFFFFFF  }
0xa7: {  	s28 =	simm.s32 $_size_execute0_lowered;
	s3 =	sadd.s32 s3, s5;
	[dreg:$0x0] =	wrdreg $0x0  }
0xa8: {  	s5 =	sshll.u32 s28, $0x1;
	[dreg:$0x2] =	wrdreg s3  }
0xa9: {  	[dreg:$0x3] =	wrdreg s5  }
0xaa: {  	[dreg:$0x4] =	wrdreg $0xC0  }
0xab: {  	_ =	task [dreg:s7], $0x5FFFF  }
0xac: {  	[dreg:$0x1] =	wrdreg $0xFFFFFFFF  }
0xad: {  	[dreg:$0x0] =	wrdreg $0x60  }
0xae: {  	[dreg:$0x2] =	wrdreg s24  }
0xaf: {  	[dreg:$0x3] =	wrdreg s2  }
0xb0: {  	[dreg:$0x4] =	wrdreg $0x78000  }
0xb1: {  	[dreg:$0x5] =	wrdreg $0x7A780  }
0xb2: {  	[dreg:$0x6] =	wrdreg $0x9  }
0xb3: {  	_ =	task.clear_ibuf [dreg:s7], $0x7FFFF;
	_ =	strace $0x90000046  }
0xb4: {  	s29 =	simm.s32 $0x9;
	_ =	strace $0x80000048  }
0xb5: {  	_ =	swait.ge [sflag:s29], $0x1  }
0xb6: {  	[sflag:s29] =	ssyncadd.s32 $0xFFFFFFFF  }
0xb7: {  	_ =	strace $0x90000048  }
0xb8: {  	_ =	sfence  }
0xb9: {  	s30 =	sld [smem:$0x0];
	_ =	sdelay $0x2  }
0xba: {  	s31 =	sshll.u32 s1, $0xD;
	s1 =	sshrl.u32 s1, $0x2  }
0xbb: {  	s3 =	sand.u32 $0x4000, s31;
	s1 =	sadd.s32 s1, s30  }
0xbc: {  	s0 =	sor.u32 s3, s0;
	s1 =	sshll.u32 s1, $0x11  }
0xbd: {  	s0 =	sor.u32 s1, s0  }
0xbe: {  	s0 =	sadd.s32 $0x8F2B, s0  }
0xbf: {  	[sflag:s0] =	ssyncadd.remote.s32 $0x1  }
0xc0: {  	_ =	sfence.sel $0xFFFF  }
0xc1: {  	[dreg:$0x0] =	wrdreg $0xFFFFFFFF;
	(pc) =	sbr.abs _section_cstart, $3  }
0xc2: {  	[dreg:$0x1] =	wrdreg $0xFFFFFFFF  }
0xc3: {  	_ =	task.clear_ibuf [dreg:s7], $0x2FFFF;
	_ =	strace $0x9FFFFFFF  }
0xc4: {  	(tm) =	ssettm $0x7FFFFFFF  }
0xc5: {  	_ =	shalt  }
tec
execute0_lowered:
.L_overlay_start_1:
0x0: {  	(tag) =	ssettag $0x1  }
0x1: {  	s4 =	rddreg [dreg:$0x0]  }
0x2: {  	s6 =	rddreg [dreg:$0x1]  }
0x3: {  	s0 =	rddreg [dreg:$0x2];
	s1 =	srdreg.scid  }
0x4: {  	s9 =	stileid.u32;
	s2 =	rddreg [dreg:$0x3];
	s3 =	simm.s32 $0x0  }
0x5: {  	s11 =	simm.s32 $0x7D;
	s5 =	sand.u32 $0x1, s1;
	s1 =	rddreg [dreg:$0x4]  }
0x6: {  	s12 =	simm.s32 $0x5000;
	s7 =	sshll.u32 s9, $0x1;
	[smem:$0x7FF] =	sst s3  }
0x7: {  	p0 =	sne.s32 s9, $0x0;
	s9 =	simm.s32 $0x1;
	s7 =	sor.u32 s5, s7  }
0x8: {  	s8 =	ssub.s32 $0x2, s5;
	_ =	strace $0x80000047;
	s31 =	sshll.u32 s5, $0x5  }
0x9: {  	s13 =	sshrl.u32 @!p0 s0, $0x3;
	s7 =	smul.u32 $0x500, s7;
	s10 =	sshrl.u32 s8, $0x1  }
0xa: {  	s14 =	sshrl.u32 @!p0 s2, $0x3;
	s6 =	sadd.s32 s6, s31;
	s8 =	ssub.s32 s8, s10  }
0xb: {  	s10 =	simm.s32 $0x2800;
	s7 =	sadd.s32 s7, s4;
	s8 =	smax.u32 s8, $0x1  }
0xc: {  	v0 =	vimm.f32 $1.000000000e+00;
	v1 =	vimm.f32 $0.0e+00;
	s4 =	sadd.s32 $0xC800, s7;
	s5 =	sadd.s32 $0x2800, s7;
	s7 =	sadd.s32 $0x10, s6  }
.LBB2_1:
0xd: {  	[tilespmem:$0x5000] =	vst v0  }
0xe: {  	[tilespmem:$0x5010] =	vst v0  }
0xf: {  	[tilespmem:$0x5020] =	vst v0  }
0x10: {  	[tilespmem:$0x5030] =	vst v0  }
0x11: {  	[tilespmem:$0x5040] =	vst v0  }
0x12: {  	[tilespmem:$0x5050] =	vst v0  }
0x13: {  	[tilespmem:$0x5060] =	vst v0  }
0x14: {  	[tilespmem:$0x5070] =	vst v0;
	s15 =	simm.s32 $0x40;
	s16 =	simm.s32 $0x0  }
.LBB2_2:
0x15: {  	p1 =	sne.s32 s15, $0x9C00;
	[tilespmem:s16+$0x5080] =	vst v1;
	s16 =	smov.u32 s15;
	s15 =	sadd.s32 $0x40, s15  }
.Ltmp0:
0x16: {  	(pc) =	sbr.rel @p1 .LBB2_2-.Ltmp0, $2  }
0x17: {  	_ =	sdelay $0x2  }
0x18: {  	s16 =	sshra.s32 s16, $0x2  }
0x19: {  	[tilespmem:s16+$0x5080] =	vst v1;
	s15 =	simm.s32 @!p0 $0x5080;
	s16 =	simm.s32 @!p0 $0x1  }
0x1a: {  	[spmem:s0] =	stream.linear.scatter @!p0 [tilespmem:s15], [sflag:$0x1], $0x2780, $0x38;
	[tilespmem:$0x7CF0] =	vst v63  }
0x1b: {  	_ =	swait.ge @!p0 [sflag:s16], $0x2780  }
0x1c: {  	[sflag:s16] =	ssyncset.done @!p0 $0x0  }
0x1d: {  	[sflag:s16] =	ssyncadd.s32 @!p0 $0xFFFFD880  }
0x1e: {  	[spmem:s2] =	stream.linear.scatter @!p0 [tilespmem:s15], [sflag:$0x1], $0x2780, $0x38;
	[tilespmem:$0x7CF0] =	vst v63  }
0x1f: {  	_ =	swait.ge @!p0 [sflag:s16], $0x2780  }
0x20: {  	[sflag:s16] =	ssyncset.done @!p0 $0x0  }
0x21: {  	[sflag:s16] =	ssyncadd.s32 @!p0 $0xFFFFD880  }
0x22: {  	s29 =	simm.s32 $0x0;
	[bflag:$0x0] =	sbarrier.arrive $0xFFFF  }
0x23: {  	[tilespmem:s29], [sflag:$0x1] =	stream.linear.gather [hbm4b:s4+s29], $0x2800, $0x38;
	[tilespmem:$0x7CF0] =	vst v63  }
0x24: {  	_ =	swait.ge [sflag:s9], $0x2800  }
0x25: {  	[sflag:s9] =	ssyncset.done $0x0  }
0x26: {  	[sflag:s9] =	ssyncadd.s32 $0xFFFFD800  }
0x27: {  	[tilespmem:s10], [sflag:$0x1] =	stream.linear.gather [hbm4b:s5+s29], $0x2800, $0x38;
	[tilespmem:$0x7CF0] =	vst v63  }
0x28: {  	_ =	swait.ge [sflag:s9], $0x2800  }
0x29: {  	[sflag:s9] =	ssyncset.done $0x0  }
0x2a: {  	s30 =	simm.s32 $0x0;
	[sflag:s9] =	ssyncadd.s32 $0xFFFFD800  }
0x2b: {  	[spmem:s0] =	stream.indirect.scatter.add.f32 [tilespmem:s12], [sflag:$0x1], $0x1, s30, s11, $0xb8;
	[tilespmem:$0x7CF0] =	vst v63  }
0x2c: {  	_ =	swait.ge [sflag:s9], $0x7D  }
0x2d: {  	[sflag:s9] =	ssyncset.done $0x0  }
0x2e: {  	s31 =	simm.s32 $0x2800;
	[sflag:s9] =	ssyncadd.s32 $0xFFFFFF83  }
0x2f: {  	[spmem:s2] =	stream.indirect.scatter.add.f32 [tilespmem:s12], [sflag:$0x1], $0x1, s31, s11, $0xb8;
	[tilespmem:$0x7CF0] =	vst v63  }
0x30: {  	_ =	swait.ge [sflag:s9], $0x7D  }
0x31: {  	s15 =	simm.s32 $0x200;
	s16 =	simm.s32 $0x400;
	[sflag:s9] =	ssyncset.done $0x0  }
.LBB2_4:
0x32: {  	s17 =	sshra.s32 s15, $0x2  }
0x33: {  	[sflag:s9] =	ssyncadd.s32 $0xFFFFFF83;
	s15 =	smov.u32 s16;
	s18 =	sadd.s32 $0x200, s16  }
0x34: {  	[spmem:s0] =	stream.indirect.scatter.add.f32 [tilespmem:s12], [sflag:$0x1], $0x1, s17, s11, $0xb8;
	[tilespmem:$0x7CF0] =	vst v63  }
0x35: {  	p1 =	sne.s32 s16, $0x9E00;
	_ =	swait.ge [sflag:s9], $0x7D  }
.Ltmp1:
0x36: {  	[sflag:s9] =	ssyncset.done $0x0;
	(pc) =	sbr.rel @p1 .LBB2_4-.Ltmp1, $4  }
0x37: {  	s16 =	sadd.s32 $0x2800, s17;
	[sflag:s9] =	ssyncadd.s32 $0xFFFFFF83  }
0x38: {  	[spmem:s2] =	stream.indirect.scatter.add.f32 [tilespmem:s12], [sflag:$0x1], $0x1, s16, s11, $0xb8;
	[tilespmem:$0x7CF0] =	vst v63  }
0x39: {  	_ =	swait.ge [sflag:s9], $0x7D  }
0x3a: {  	s16 =	smov.u32 s18;
	[sflag:s9] =	ssyncset.done $0x0  }
0x3b: {  	s15 =	sshra.s32 s15, $0x2;
	[sflag:s9] =	ssyncadd.s32 $0xFFFFFF83  }
0x3c: {  	[spmem:s0] =	stream.indirect.scatter.add.f32 [tilespmem:s12], [sflag:$0x1], $0x1, s15, s11, $0xb8;
	[tilespmem:$0x7CF0] =	vst v63  }
0x3d: {  	_ =	swait.ge [sflag:s9], $0x7D  }
0x3e: {  	[sflag:s9] =	ssyncset.done $0x0  }
0x3f: {  	s15 =	sadd.s32 $0x2800, s15;
	[sflag:s9] =	ssyncadd.s32 $0xFFFFFF83  }
0x40: {  	[spmem:s2] =	stream.indirect.scatter.add.f32 [tilespmem:s12], [sflag:$0x1], $0x1, s15, s11, $0xb8;
	[tilespmem:$0x7CF0] =	vst v63  }
0x41: {  	_ =	swait.ge [sflag:s9], $0x7D  }
0x42: {  	[sflag:s9] =	ssyncset.done $0x0  }
0x43: {  	s16 =	simm.s32 @!p0 $0x40;
	s17 =	simm.s32 @!p0 $0x10;
	[sflag:s9] =	ssyncadd.s32 $0xFFFFFF83  }
0x44: {  	s18 =	simm.s32 @!p0 $0x1C01;
	s15 =	simm.s32 @!p0 $0x1;
	[bflag:$0x0] =	sbarrier.arrive $0xFFFF  }
0x45: {  	[hbm:s6@s16], [sflag:s18] =	dma.strided @!p0 [spmem:s13@s17], $0x4F0, s15, $0x10   }
0x46: {  	s3 =	sadd.s32 $0x1, s3;
	_ =	swait.ge @!p0 [sflag:s15], $0x4F0  }
0x47: {  	p1 =	sne.s32 s3, s8;
	[sflag:s15] =	ssyncset.done @!p0 $0x0  }
.Ltmp2:
0x48: {  	[sflag:s15] =	ssyncadd.s32 @!p0 $0xFFFFFB10;
	(pc) =	sbr.rel @p1 .LBB2_1-.Ltmp2, $4  }
0x49: {  	[hbm:s7@s16], [sflag:s18] =	dma.strided @!p0 [spmem:s14@s17], $0x4F0, s15, $0x10   }
0x4a: {  	_ =	swait.ge @!p0 [sflag:s15], $0x4F0  }
0x4b: {  	[sflag:s15] =	ssyncset.done @!p0 $0x0  }
0x4c: {  	[sflag:s15] =	ssyncadd.s32 @!p0 $0xFFFFFB10  }
0x4d: {  	_ =	sfence.sel $0x180000  }
0x4e: {  	[bflag:$0x0] =	sbarrier.arrive $0xFFFF  }
0x4f: {  	_ =	strace $0x90000047  }
0x50: {  	s0 =	sadd.s32 @!p0 $0x100000, s1;
	[bflag:$0x2] =	sbarrier.arrive $0xFFFF  }
0x51: {  	[sflag:s0] =	ssyncadd.tile.s32 @!p0 $0x1;
	_ =	shalt  }
.Lfunc_end2:
_tile_overlayer_lowered:
.L_overlay_start_2:
0x52: {  	(tag) =	ssettag $0x2  }
0x53: {  	s0 =	rddreg [dreg:$0x0];
	s2 =	stileid.u32  }
0x54: {  	s1 =	rddreg [dreg:$0x1];
	p0 =	sne.s32 s2, $0x0  }
0x55: {  	s3 =	rddreg [dreg:$0x2];
	[bflag:$0x3] =	sbarrier.arrive $0xFFFF;
	s2 =	simm.s32 @!p0 $0x1C01  }
0x56: {  	[timem:s3], [sflag:s2] =	dma.local @!p0 [hbm:s0], s1  }
0x57: {  	s0 =	simm.s32 @!p0 $0x1  }
0x58: {  	_ =	swait.ge @!p0 [sflag:s0], s1  }
0x59: {  	s1 =	ssub.s32 @!p0 $0x0, s1;
	[sflag:s0] =	ssyncset.done @!p0 $0x0  }
0x5a: {  	[sflag:s0] =	ssyncadd.s32 @!p0 s1  }
0x5b: {  	[bflag:$0x3] =	sbarrier.arrive $0xFFFF  }
0x5c: {  	_ =	shalt  }

</sc_bundles>
